<compile_context>
chip_gen: v7x
topology: tpu7x:2x2x1
jax: 0.10.2.dev20260603
libtpu: 0.0.44.dev20260713+nightly
codegen_flags: <defaults>
</compile_context>

<pallas_src>
import functools

import jax
import jax.numpy as jnp
from jax import lax
from jax.experimental import pallas as pl
from jax.experimental.pallas import tpu as pltpu
from jax.experimental.pallas import tpu_sc as plsc

_NW = 32
_ROWS = 64
_COLS = 16384
_RPW = _ROWS // _NW
_NCHUNK = 4
_CW = _COLS // _NCHUNK
_LANES = 16
_UNROLL = 8


def _sc_partials(xt):
    mesh = plsc.VectorSubcoreMesh(core_axis_name="c", subcore_axis_name="s")

    @functools.partial(
        pl.kernel,
        mesh=mesh,
        out_type=jax.ShapeDtypeStruct((_ROWS, _LANES), jnp.float32),
        scratch_types=[
            pltpu.VMEM((_RPW, _CW), jnp.float32),
            pltpu.VMEM((_RPW, _CW), jnp.float32),
            pltpu.VMEM((_RPW, _LANES), jnp.float32),
            pltpu.SemaphoreType.DMA,
            pltpu.SemaphoreType.DMA,
        ],
    )
    def k(xt_hbm, out_hbm, buf0, buf1, accrow, sem0, sem1):
        cid = lax.axis_index("c")
        sid = lax.axis_index("s")
        wid = sid * 2 + cid
        r0 = wid * _RPW
        bufs = (buf0, buf1)
        sems = (sem0, sem1)

        def copy_of(i):
            return pltpu.make_async_copy(
                xt_hbm.at[pl.ds(r0, _RPW), pl.ds(i * _CW, _CW)],
                bufs[i % 2],
                sems[i % 2],
            )

        copy_of(0).start()
        z = jnp.zeros((_LANES,), jnp.float32)
        accs = (z, z, z, z)
        for i in range(_NCHUNK):
            copy_of(i).wait()
            if i + 1 < _NCHUNK:
                copy_of(i + 1).start()
            buf = bufs[i % 2]

            def body(j, carry, buf=buf):
                a0, a1, b0, b1 = carry
                for u in range(0, _UNROLL, 2):
                    col = (j * _UNROLL + u) * _LANES
                    a0 = a0 + jnp.maximum(buf[0, pl.ds(col, _LANES)], 0.0)
                    a1 = a1 + jnp.maximum(buf[1, pl.ds(col, _LANES)], 0.0)
                    col2 = col + _LANES
                    b0 = b0 + jnp.maximum(buf[0, pl.ds(col2, _LANES)], 0.0)
                    b1 = b1 + jnp.maximum(buf[1, pl.ds(col2, _LANES)], 0.0)
                return a0, a1, b0, b1

            accs = lax.fori_loop(0, _CW // (_LANES * _UNROLL), body, accs)

        accrow[0, :] = accs[0] + accs[2]
        accrow[1, :] = accs[1] + accs[3]
        pltpu.sync_copy(accrow, out_hbm.at[pl.ds(r0, _RPW)])

    return k(xt)


def _combine(p_ref, o_ref):
    s = jnp.sum(p_ref[...], axis=1, keepdims=True)
    o_ref[...] = jnp.sum(s * s, keepdims=True)


def kernel(x):
    xt = x.T
    partials = _sc_partials(xt)
    out = pl.pallas_call(
        _combine,
        out_shape=jax.ShapeDtypeStruct((1, 1), jnp.float32),
    )(partials)
    return out[0, 0]

# --- scband reference (transcript-rebuilt; emitter-appended) ---
"""Pipeline reference for scband-my-model-61933428410864 (READ-ONLY COPY).

The authoritative reference and input builder live on the scoring server;
editing this copy changes nothing except your own understanding.
"""

import jax, jax.numpy as jnp
import numpy as np

def setup_inputs(seed: int = 0) -> dict:
    key = jax.random.key(seed)
    x = jax.random.normal(key, (16384, 64), dtype=jnp.float32)
    return {"x": x}

def reference(x):
    # Faithful translation: ReLU, then (sparse-semantics) x @ x.T, then sum.
    # The CSR conversion in the torch module is a storage-format change only;
    # the math is identical to dense matmul since ReLU'd zeros contribute nothing.
    y = jnp.maximum(x, 0.0)
    out = jnp.sum(jnp.matmul(y, y.T))
    return out

if __name__ == "__main__":
    import jax
    _d = setup_inputs()
    print(jax.jit(kernel)(*tuple(_d.values())))

</pallas_src>

<mosaic_0001>
#map = affine_map<(d0, d1) -> (0, 0)>
module attributes {stable_mosaic.version = 14 : i64} {
  func.func @k(%arg0: i32, %arg1: i32, %arg2: memref<64x16384xf32, #tpu.memory_space<hbm>>, %arg3: memref<64x16xf32, #tpu.memory_space<hbm>>, %arg4: memref<2x4096xf32, #tpu.memory_space<vmem>>, %arg5: memref<2x4096xf32, #tpu.memory_space<vmem>>, %arg6: memref<2x16xf32, #tpu.memory_space<vmem>>, %arg7: memref<!tpu.dma_semaphore, #tpu.memory_space<semaphore_mem>>, %arg8: memref<!tpu.dma_semaphore, #tpu.memory_space<semaphore_mem>>) attributes {dimension_semantics = [#tpu.dimension_semantics<core_parallel>, #tpu.dimension_semantics<subcore_parallel>], iteration_bounds = array<i64: 2, 16>, scalar_prefetch = 0 : i64, scratch_operands = 5 : i64, tpu.core_type = #tpu.core_type<sc_vector_subcore>, window_params = [{transform_indices = #map}, {transform_indices = #map}]} {
    %mul3A = arith.constant 2 : i32
    %mul3A_0 = arith.muli %arg1, %mul3A : i32
    %add3A = arith.addi %mul3A_0, %arg0 : i32
    %mul3A_1 = arith.constant 2 : i32
    %mul3A_2 = arith.muli %add3A, %mul3A_1 : i32
    %dma_start3A = arith.constant 0 : i32
    %dma_start3A_3 = tpu.memref_slice %arg2[%mul3A_2, %dma_start3A] : memref<64x16384xf32, #tpu.memory_space<hbm>> -> memref<2x4096xf32, #tpu.memory_space<hbm>>
    %dma_start3A_4 = arith.constant 0 : i32
    %dma_start3A_5 = tpu.memref_slice %arg2[%mul3A_2, %dma_start3A_4] : memref<64x16384xf32, #tpu.memory_space<hbm>> -> memref<2x4096xf32, #tpu.memory_space<hbm>>
    tpu.enqueue_dma source(%dma_start3A_5 : memref<2x4096xf32, #tpu.memory_space<hbm>>) target(%arg4 : memref<2x4096xf32, #tpu.memory_space<vmem>>) target_semaphore(%arg7 : memref<!tpu.dma_semaphore, #tpu.memory_space<semaphore_mem>>)
    %broadcast_in_dim3A = arith.constant 0.000000e+00 : f32
    %broadcast_in_dim3A_6 = vector.broadcast %broadcast_in_dim3A : f32 to vector<16xf32>
    %dma_wait3A = arith.constant 0 : i32
    %dma_wait3A_7 = tpu.memref_slice %arg2[%mul3A_2, %dma_wait3A] : memref<64x16384xf32, #tpu.memory_space<hbm>> -> memref<2x4096xf32, #tpu.memory_space<hbm>>
    %dma_wait3A_8 = arith.constant 0 : i32
    %dma_wait3A_9 = tpu.memref_slice %arg2[%mul3A_2, %dma_wait3A_8] : memref<64x16384xf32, #tpu.memory_space<hbm>> -> memref<2x4096xf32, #tpu.memory_space<hbm>>
    tpu.wait_dma2 semaphore(%arg7 : memref<!tpu.dma_semaphore, #tpu.memory_space<semaphore_mem>>) src(%dma_wait3A_9 : memref<2x4096xf32, #tpu.memory_space<hbm>>) dst(%arg4 : memref<2x4096xf32, #tpu.memory_space<vmem>>)
    %dma_start3A_10 = arith.constant 4096 : i32
    %dma_start3A_11 = tpu.memref_slice %arg2[%mul3A_2, %dma_start3A_10] : memref<64x16384xf32, #tpu.memory_space<hbm>> -> memref<2x4096xf32, #tpu.memory_space<hbm>>
    %dma_start3A_12 = arith.constant 4096 : i32
    %dma_start3A_13 = tpu.memref_slice %arg2[%mul3A_2, %dma_start3A_12] : memref<64x16384xf32, #tpu.memory_space<hbm>> -> memref<2x4096xf32, #tpu.memory_space<hbm>>
    tpu.enqueue_dma source(%dma_start3A_13 : memref<2x4096xf32, #tpu.memory_space<hbm>>) target(%arg5 : memref<2x4096xf32, #tpu.memory_space<vmem>>) target_semaphore(%arg8 : memref<!tpu.dma_semaphore, #tpu.memory_space<semaphore_mem>>)
    %scan3A = arith.constant 0 : i32
    %scan3A_14 = arith.constant 32 : i32
    %scan3A_15 = arith.addi %scan3A, %scan3A_14 : i32
    %scan3A_16 = arith.constant 1 : i32
    %scan3A_17:4 = scf.for %scan3A_70 = %scan3A to %scan3A_15 step %scan3A_16 iter_args(%scan3A_71 = %broadcast_in_dim3A_6, %scan3A_72 = %broadcast_in_dim3A_6, %scan3A_73 = %broadcast_in_dim3A_6, %scan3A_74 = %broadcast_in_dim3A_6) -> (vector<16xf32>, vector<16xf32>, vector<16xf32>, vector<16xf32>)  : i32 {
      %mul3A_75 = arith.constant 8 : i32
      %mul3A_76 = arith.muli %scan3A_70, %mul3A_75 : i32
      %add3A_77 = arith.constant 0 : i32
      %add3A_78 = arith.addi %mul3A_76, %add3A_77 : i32
      %mul3A_79 = arith.constant 16 : i32
      %mul3A_80 = arith.muli %add3A_78, %mul3A_79 : i32
      %get3A = arith.constant 0 : i32
      %get3A_81 = arith.index_cast %get3A : i32 to index
      %get3A_82 = arith.index_cast %mul3A_80 : i32 to index
      %get3A_83 = tpu.vector_load %arg4[%get3A_81, %get3A_82] {strides = array<i32>} : memref<2x4096xf32, #tpu.memory_space<vmem>>, vector<1x16xf32>,
      %get3A_84 = vector.shape_cast %get3A_83 : vector<1x16xf32> to vector<16xf32>
      %max3A = arith.constant 0.000000e+00 : f32
      %max3A_85 = vector.broadcast %max3A : f32 to vector<16xf32>
      %max3A_86 = arith.maximumf %get3A_84, %max3A_85 : vector<16xf32>
      %add3A_87 = arith.addf %scan3A_71, %max3A_86 : vector<16xf32>
      %get3A_88 = arith.constant 1 : i32
      %get3A_89 = arith.index_cast %get3A_88 : i32 to index
      %get3A_90 = arith.index_cast %mul3A_80 : i32 to index
      %get3A_91 = tpu.vector_load %arg4[%get3A_89, %get3A_90] {strides = array<i32>} : memref<2x4096xf32, #tpu.memory_space<vmem>>, vector<1x16xf32>,
      %get3A_92 = vector.shape_cast %get3A_91 : vector<1x16xf32> to vector<16xf32>
      %max3A_93 = arith.constant 0.000000e+00 : f32
      %max3A_94 = vector.broadcast %max3A_93 : f32 to vector<16xf32>
      %max3A_95 = arith.maximumf %get3A_92, %max3A_94 : vector<16xf32>
      %add3A_96 = arith.addf %scan3A_72, %max3A_95 : vector<16xf32>
      %add3A_97 = arith.constant 16 : i32
      %add3A_98 = arith.addi %mul3A_80, %add3A_97 : i32
      %get3A_99 = arith.constant 0 : i32
      %get3A_100 = arith.index_cast %get3A_99 : i32 to index
      %get3A_101 = arith.index_cast %add3A_98 : i32 to index
      %get3A_102 = tpu.vector_load %arg4[%get3A_100, %get3A_101] {strides = array<i32>} : memref<2x4096xf32, #tpu.memory_space<vmem>>, vector<1x16xf32>,
      %get3A_103 = vector.shape_cast %get3A_102 : vector<1x16xf32> to vector<16xf32>
      %max3A_104 = arith.constant 0.000000e+00 : f32
      %max3A_105 = vector.broadcast %max3A_104 : f32 to vector<16xf32>
      %max3A_106 = arith.maximumf %get3A_103, %max3A_105 : vector<16xf32>
      %add3A_107 = arith.addf %scan3A_73, %max3A_106 : vector<16xf32>
      %get3A_108 = arith.constant 1 : i32
      %get3A_109 = arith.index_cast %get3A_108 : i32 to index
      %get3A_110 = arith.index_cast %add3A_98 : i32 to index
      %get3A_111 = tpu.vector_load %arg4[%get3A_109, %get3A_110] {strides = array<i32>} : memref<2x4096xf32, #tpu.memory_space<vmem>>, vector<1x16xf32>,
      %get3A_112 = vector.shape_cast %get3A_111 : vector<1x16xf32> to vector<16xf32>
      %max3A_113 = arith.constant 0.000000e+00 : f32
      %max3A_114 = vector.broadcast %max3A_113 : f32 to vector<16xf32>
      %max3A_115 = arith.maximumf %get3A_112, %max3A_114 : vector<16xf32>
      %add3A_116 = arith.addf %scan3A_74, %max3A_115 : vector<16xf32>
      %mul3A_117 = arith.constant 8 : i32
      %mul3A_118 = arith.muli %scan3A_70, %mul3A_117 : i32
      %add3A_119 = arith.constant 2 : i32
      %add3A_120 = arith.addi %mul3A_118, %add3A_119 : i32
      %mul3A_121 = arith.constant 16 : i32
      %mul3A_122 = arith.muli %add3A_120, %mul3A_121 : i32
      %get3A_123 = arith.constant 0 : i32
      %get3A_124 = arith.index_cast %get3A_123 : i32 to index
      %get3A_125 = arith.index_cast %mul3A_122 : i32 to index
      %get3A_126 = tpu.vector_load %arg4[%get3A_124, %get3A_125] {strides = array<i32>} : memref<2x4096xf32, #tpu.memory_space<vmem>>, vector<1x16xf32>,
      %get3A_127 = vector.shape_cast %get3A_126 : vector<1x16xf32> to vector<16xf32>
      %max3A_128 = arith.constant 0.000000e+00 : f32
      %max3A_129 = vector.broadcast %max3A_128 : f32 to vector<16xf32>
      %max3A_130 = arith.maximumf %get3A_127, %max3A_129 : vector<16xf32>
      %add3A_131 = arith.addf %add3A_87, %max3A_130 : vector<16xf32>
      %get3A_132 = arith.constant 1 : i32
      %get3A_133 = arith.index_cast %get3A_132 : i32 to index
      %get3A_134 = arith.index_cast %mul3A_122 : i32 to index
      %get3A_135 = tpu.vector_load %arg4[%get3A_133, %get3A_134] {strides = array<i32>} : memref<2x4096xf32, #tpu.memory_space<vmem>>, vector<1x16xf32>,
      %get3A_136 = vector.shape_cast %get3A_135 : vector<1x16xf32> to vector<16xf32>
      %max3A_137 = arith.constant 0.000000e+00 : f32
      %max3A_138 = vector.broadcast %max3A_137 : f32 to vector<16xf32>
      %max3A_139 = arith.maximumf %get3A_136, %max3A_138 : vector<16xf32>
      %add3A_140 = arith.addf %add3A_96, %max3A_139 : vector<16xf32>
      %add3A_141 = arith.constant 16 : i32
      %add3A_142 = arith.addi %mul3A_122, %add3A_141 : i32
      %get3A_143 = arith.constant 0 : i32
      %get3A_144 = arith.index_cast %get3A_143 : i32 to index
      %get3A_145 = arith.index_cast %add3A_142 : i32 to index
      %get3A_146 = tpu.vector_load %arg4[%get3A_144, %get3A_145] {strides = array<i32>} : memref<2x4096xf32, #tpu.memory_space<vmem>>, vector<1x16xf32>,
      %get3A_147 = vector.shape_cast %get3A_146 : vector<1x16xf32> to vector<16xf32>
      %max3A_148 = arith.constant 0.000000e+00 : f32
      %max3A_149 = vector.broadcast %max3A_148 : f32 to vector<16xf32>
      %max3A_150 = arith.maximumf %get3A_147, %max3A_149 : vector<16xf32>
      %add3A_151 = arith.addf %add3A_107, %max3A_150 : vector<16xf32>
      %get3A_152 = arith.constant 1 : i32
      %get3A_153 = arith.index_cast %get3A_152 : i32 to index
      %get3A_154 = arith.index_cast %add3A_142 : i32 to index
      %get3A_155 = tpu.vector_load %arg4[%get3A_153, %get3A_154] {strides = array<i32>} : memref<2x4096xf32, #tpu.memory_space<vmem>>, vector<1x16xf32>,
      %get3A_156 = vector.shape_cast %get3A_155 : vector<1x16xf32> to vector<16xf32>
      %max3A_157 = arith.constant 0.000000e+00 : f32
      %max3A_158 = vector.broadcast %max3A_157 : f32 to vector<16xf32>
      %max3A_159 = arith.maximumf %get3A_156, %max3A_158 : vector<16xf32>
      %add3A_160 = arith.addf %add3A_116, %max3A_159 : vector<16xf32>
      %mul3A_161 = arith.constant 8 : i32
      %mul3A_162 = arith.muli %scan3A_70, %mul3A_161 : i32
      %add3A_163 = arith.constant 4 : i32
      %add3A_164 = arith.addi %mul3A_162, %add3A_163 : i32
      %mul3A_165 = arith.constant 16 : i32
      %mul3A_166 = arith.muli %add3A_164, %mul3A_165 : i32
      %get3A_167 = arith.constant 0 : i32
      %get3A_168 = arith.index_cast %get3A_167 : i32 to index
      %get3A_169 = arith.index_cast %mul3A_166 : i32 to index
      %get3A_170 = tpu.vector_load %arg4[%get3A_168, %get3A_169] {strides = array<i32>} : memref<2x4096xf32, #tpu.memory_space<vmem>>, vector<1x16xf32>,
      %get3A_171 = vector.shape_cast %get3A_170 : vector<1x16xf32> to vector<16xf32>
      %max3A_172 = arith.constant 0.000000e+00 : f32
      %max3A_173 = vector.broadcast %max3A_172 : f32 to vector<16xf32>
      %max3A_174 = arith.maximumf %get3A_171, %max3A_173 : vector<16xf32>
      %add3A_175 = arith.addf %add3A_131, %max3A_174 : vector<16xf32>
      %get3A_176 = arith.constant 1 : i32
      %get3A_177 = arith.index_cast %get3A_176 : i32 to index
      %get3A_178 = arith.index_cast %mul3A_166 : i32 to index
      %get3A_179 = tpu.vector_load %arg4[%get3A_177, %get3A_178] {strides = array<i32>} : memref<2x4096xf32, #tpu.memory_space<vmem>>, vector<1x16xf32>,
      %get3A_180 = vector.shape_cast %get3A_179 : vector<1x16xf32> to vector<16xf32>
      %max3A_181 = arith.constant 0.000000e+00 : f32
      %max3A_182 = vector.broadcast %max3A_181 : f32 to vector<16xf32>
      %max3A_183 = arith.maximumf %get3A_180, %max3A_182 : vector<16xf32>
      %add3A_184 = arith.addf %add3A_140, %max3A_183 : vector<16xf32>
      %add3A_185 = arith.constant 16 : i32
      %add3A_186 = arith.addi %mul3A_166, %add3A_185 : i32
      %get3A_187 = arith.constant 0 : i32
      %get3A_188 = arith.index_cast %get3A_187 : i32 to index
      %get3A_189 = arith.index_cast %add3A_186 : i32 to index
      %get3A_190 = tpu.vector_load %arg4[%get3A_188, %get3A_189] {strides = array<i32>} : memref<2x4096xf32, #tpu.memory_space<vmem>>, vector<1x16xf32>,
      %get3A_191 = vector.shape_cast %get3A_190 : vector<1x16xf32> to vector<16xf32>
      %max3A_192 = arith.constant 0.000000e+00 : f32
      %max3A_193 = vector.broadcast %max3A_192 : f32 to vector<16xf32>
      %max3A_194 = arith.maximumf %get3A_191, %max3A_193 : vector<16xf32>
      %add3A_195 = arith.addf %add3A_151, %max3A_194 : vector<16xf32>
      %get3A_196 = arith.constant 1 : i32
      %get3A_197 = arith.index_cast %get3A_196 : i32 to index
      %get3A_198 = arith.index_cast %add3A_186 : i32 to index
      %get3A_199 = tpu.vector_load %arg4[%get3A_197, %get3A_198] {strides = array<i32>} : memref<2x4096xf32, #tpu.memory_space<vmem>>, vector<1x16xf32>,
      %get3A_200 = vector.shape_cast %get3A_199 : vector<1x16xf32> to vector<16xf32>
      %max3A_201 = arith.constant 0.000000e+00 : f32
      %max3A_202 = vector.broadcast %max3A_201 : f32 to vector<16xf32>
      %max3A_203 = arith.maximumf %get3A_200, %max3A_202 : vector<16xf32>
      %add3A_204 = arith.addf %add3A_160, %max3A_203 : vector<16xf32>
      %mul3A_205 = arith.constant 8 : i32
      %mul3A_206 = arith.muli %scan3A_70, %mul3A_205 : i32
      %add3A_207 = arith.constant 6 : i32
      %add3A_208 = arith.addi %mul3A_206, %add3A_207 : i32
      %mul3A_209 = arith.constant 16 : i32
      %mul3A_210 = arith.muli %add3A_208, %mul3A_209 : i32
      %get3A_211 = arith.constant 0 : i32
      %get3A_212 = arith.index_cast %get3A_211 : i32 to index
      %get3A_213 = arith.index_cast %mul3A_210 : i32 to index
      %get3A_214 = tpu.vector_load %arg4[%get3A_212, %get3A_213] {strides = array<i32>} : memref<2x4096xf32, #tpu.memory_space<vmem>>, vector<1x16xf32>,
      %get3A_215 = vector.shape_cast %get3A_214 : vector<1x16xf32> to vector<16xf32>
      %max3A_216 = arith.constant 0.000000e+00 : f32
      %max3A_217 = vector.broadcast %max3A_216 : f32 to vector<16xf32>
      %max3A_218 = arith.maximumf %get3A_215, %max3A_217 : vector<16xf32>
      %add3A_219 = arith.addf %add3A_175, %max3A_218 : vector<16xf32>
      %get3A_220 = arith.constant 1 : i32
      %get3A_221 = arith.index_cast %get3A_220 : i32 to index
      %get3A_222 = arith.index_cast %mul3A_210 : i32 to index
      %get3A_223 = tpu.vector_load %arg4[%get3A_221, %get3A_222] {strides = array<i32>} : memref<2x4096xf32, #tpu.memory_space<vmem>>, vector<1x16xf32>,
      %get3A_224 = vector.shape_cast %get3A_223 : vector<1x16xf32> to vector<16xf32>
      %max3A_225 = arith.constant 0.000000e+00 : f32
      %max3A_226 = vector.broadcast %max3A_225 : f32 to vector<16xf32>
      %max3A_227 = arith.maximumf %get3A_224, %max3A_226 : vector<16xf32>
      %add3A_228 = arith.addf %add3A_184, %max3A_227 : vector<16xf32>
      %add3A_229 = arith.constant 16 : i32
      %add3A_230 = arith.addi %mul3A_210, %add3A_229 : i32
      %get3A_231 = arith.constant 0 : i32
      %get3A_232 = arith.index_cast %get3A_231 : i32 to index
      %get3A_233 = arith.index_cast %add3A_230 : i32 to index
      %get3A_234 = tpu.vector_load %arg4[%get3A_232, %get3A_233] {strides = array<i32>} : memref<2x4096xf32, #tpu.memory_space<vmem>>, vector<1x16xf32>,
      %get3A_235 = vector.shape_cast %get3A_234 : vector<1x16xf32> to vector<16xf32>
      %max3A_236 = arith.constant 0.000000e+00 : f32
      %max3A_237 = vector.broadcast %max3A_236 : f32 to vector<16xf32>
      %max3A_238 = arith.maximumf %get3A_235, %max3A_237 : vector<16xf32>
      %add3A_239 = arith.addf %add3A_195, %max3A_238 : vector<16xf32>
      %get3A_240 = arith.constant 1 : i32
      %get3A_241 = arith.index_cast %get3A_240 : i32 to index
      %get3A_242 = arith.index_cast %add3A_230 : i32 to index
      %get3A_243 = tpu.vector_load %arg4[%get3A_241, %get3A_242] {strides = array<i32>} : memref<2x4096xf32, #tpu.memory_space<vmem>>, vector<1x16xf32>,
      %get3A_244 = vector.shape_cast %get3A_243 : vector<1x16xf32> to vector<16xf32>
      %max3A_245 = arith.constant 0.000000e+00 : f32
      %max3A_246 = vector.broadcast %max3A_245 : f32 to vector<16xf32>
      %max3A_247 = arith.maximumf %get3A_244, %max3A_246 : vector<16xf32>
      %add3A_248 = arith.addf %add3A_204, %max3A_247 : vector<16xf32>
      scf.yield %add3A_219, %add3A_228, %add3A_239, %add3A_248 : vector<16xf32>, vector<16xf32>, vector<16xf32>, vector<16xf32>
    }
    %scan3A_18 = arith.constant 32 : i32
    %dma_wait3A_19 = arith.constant 4096 : i32
    %dma_wait3A_20 = tpu.memref_slice %arg2[%mul3A_2, %dma_wait3A_19] : memref<64x16384xf32, #tpu.memory_space<hbm>> -> memref<2x4096xf32, #tpu.memory_space<hbm>>
    %dma_wait3A_21 = arith.constant 4096 : i32
    %dma_wait3A_22 = tpu.memref_slice %arg2[%mul3A_2, %dma_wait3A_21] : memref<64x16384xf32, #tpu.memory_space<hbm>> -> memref<2x4096xf32, #tpu.memory_space<hbm>>
    tpu.wait_dma2 semaphore(%arg8 : memref<!tpu.dma_semaphore, #tpu.memory_space<semaphore_mem>>) src(%dma_wait3A_22 : memref<2x4096xf32, #tpu.memory_space<hbm>>) dst(%arg5 : memref<2x4096xf32, #tpu.memory_space<vmem>>)
    %dma_start3A_23 = arith.constant 8192 : i32
    %dma_start3A_24 = tpu.memref_slice %arg2[%mul3A_2, %dma_start3A_23] : memref<64x16384xf32, #tpu.memory_space<hbm>> -> memref<2x4096xf32, #tpu.memory_space<hbm>>
    %dma_start3A_25 = arith.constant 8192 : i32
    %dma_start3A_26 = tpu.memref_slice %arg2[%mul3A_2, %dma_start3A_25] : memref<64x16384xf32, #tpu.memory_space<hbm>> -> memref<2x4096xf32, #tpu.memory_space<hbm>>
    tpu.enqueue_dma source(%dma_start3A_26 : memref<2x4096xf32, #tpu.memory_space<hbm>>) target(%arg4 : memref<2x4096xf32, #tpu.memory_space<vmem>>) target_semaphore(%arg7 : memref<!tpu.dma_semaphore, #tpu.memory_space<semaphore_mem>>)
    %scan3A_27 = arith.constant 0 : i32
    %scan3A_28 = arith.constant 32 : i32
    %scan3A_29 = arith.addi %scan3A_27, %scan3A_28 : i32
    %scan3A_30 = arith.constant 1 : i32
    %scan3A_31:4 = scf.for %scan3A_70 = %scan3A_27 to %scan3A_29 step %scan3A_30 iter_args(%scan3A_71 = %scan3A_17#0, %scan3A_72 = %scan3A_17#1, %scan3A_73 = %scan3A_17#2, %scan3A_74 = %scan3A_17#3) -> (vector<16xf32>, vector<16xf32>, vector<16xf32>, vector<16xf32>)  : i32 {
      %mul3A_75 = arith.constant 8 : i32
      %mul3A_76 = arith.muli %scan3A_70, %mul3A_75 : i32
      %add3A_77 = arith.constant 0 : i32
      %add3A_78 = arith.addi %mul3A_76, %add3A_77 : i32
      %mul3A_79 = arith.constant 16 : i32
      %mul3A_80 = arith.muli %add3A_78, %mul3A_79 : i32
      %get3A = arith.constant 0 : i32
      %get3A_81 = arith.index_cast %get3A : i32 to index
      %get3A_82 = arith.index_cast %mul3A_80 : i32 to index
      %get3A_83 = tpu.vector_load %arg5[%get3A_81, %get3A_82] {strides = array<i32>} : memref<2x4096xf32, #tpu.memory_space<vmem>>, vector<1x16xf32>,
      %get3A_84 = vector.shape_cast %get3A_83 : vector<1x16xf32> to vector<16xf32>
      %max3A = arith.constant 0.000000e+00 : f32
      %max3A_85 = vector.broadcast %max3A : f32 to vector<16xf32>
      %max3A_86 = arith.maximumf %get3A_84, %max3A_85 : vector<16xf32>
      %add3A_87 = arith.addf %scan3A_71, %max3A_86 : vector<16xf32>
      %get3A_88 = arith.constant 1 : i32
      %get3A_89 = arith.index_cast %get3A_88 : i32 to index
      %get3A_90 = arith.index_cast %mul3A_80 : i32 to index
      %get3A_91 = tpu.vector_load %arg5[%get3A_89, %get3A_90] {strides = array<i32>} : memref<2x4096xf32, #tpu.memory_space<vmem>>, vector<1x16xf32>,
      %get3A_92 = vector.shape_cast %get3A_91 : vector<1x16xf32> to vector<16xf32>
      %max3A_93 = arith.constant 0.000000e+00 : f32
      %max3A_94 = vector.broadcast %max3A_93 : f32 to vector<16xf32>
      %max3A_95 = arith.maximumf %get3A_92, %max3A_94 : vector<16xf32>
      %add3A_96 = arith.addf %scan3A_72, %max3A_95 : vector<16xf32>
      %add3A_97 = arith.constant 16 : i32
      %add3A_98 = arith.addi %mul3A_80, %add3A_97 : i32
      %get3A_99 = arith.constant 0 : i32
      %get3A_100 = arith.index_cast %get3A_99 : i32 to index
      %get3A_101 = arith.index_cast %add3A_98 : i32 to index
      %get3A_102 = tpu.vector_load %arg5[%get3A_100, %get3A_101] {strides = array<i32>} : memref<2x4096xf32, #tpu.memory_space<vmem>>, vector<1x16xf32>,
      %get3A_103 = vector.shape_cast %get3A_102 : vector<1x16xf32> to vector<16xf32>
      %max3A_104 = arith.constant 0.000000e+00 : f32
      %max3A_105 = vector.broadcast %max3A_104 : f32 to vector<16xf32>
      %max3A_106 = arith.maximumf %get3A_103, %max3A_105 : vector<16xf32>
      %add3A_107 = arith.addf %scan3A_73, %max3A_106 : vector<16xf32>
      %get3A_108 = arith.constant 1 : i32
      %get3A_109 = arith.index_cast %get3A_108 : i32 to index
      %get3A_110 = arith.index_cast %add3A_98 : i32 to index
      %get3A_111 = tpu.vector_load %arg5[%get3A_109, %get3A_110] {strides = array<i32>} : memref<2x4096xf32, #tpu.memory_space<vmem>>, vector<1x16xf32>,
      %get3A_112 = vector.shape_cast %get3A_111 : vector<1x16xf32> to vector<16xf32>
      %max3A_113 = arith.constant 0.000000e+00 : f32
      %max3A_114 = vector.broadcast %max3A_113 : f32 to vector<16xf32>
      %max3A_115 = arith.maximumf %get3A_112, %max3A_114 : vector<16xf32>
      %add3A_116 = arith.addf %scan3A_74, %max3A_115 : vector<16xf32>
      %mul3A_117 = arith.constant 8 : i32
      %mul3A_118 = arith.muli %scan3A_70, %mul3A_117 : i32
      %add3A_119 = arith.constant 2 : i32
      %add3A_120 = arith.addi %mul3A_118, %add3A_119 : i32
      %mul3A_121 = arith.constant 16 : i32
      %mul3A_122 = arith.muli %add3A_120, %mul3A_121 : i32
      %get3A_123 = arith.constant 0 : i32
      %get3A_124 = arith.index_cast %get3A_123 : i32 to index
      %get3A_125 = arith.index_cast %mul3A_122 : i32 to index
      %get3A_126 = tpu.vector_load %arg5[%get3A_124, %get3A_125] {strides = array<i32>} : memref<2x4096xf32, #tpu.memory_space<vmem>>, vector<1x16xf32>,
      %get3A_127 = vector.shape_cast %get3A_126 : vector<1x16xf32> to vector<16xf32>
      %max3A_128 = arith.constant 0.000000e+00 : f32
      %max3A_129 = vector.broadcast %max3A_128 : f32 to vector<16xf32>
      %max3A_130 = arith.maximumf %get3A_127, %max3A_129 : vector<16xf32>
      %add3A_131 = arith.addf %add3A_87, %max3A_130 : vector<16xf32>
      %get3A_132 = arith.constant 1 : i32
      %get3A_133 = arith.index_cast %get3A_132 : i32 to index
      %get3A_134 = arith.index_cast %mul3A_122 : i32 to index
      %get3A_135 = tpu.vector_load %arg5[%get3A_133, %get3A_134] {strides = array<i32>} : memref<2x4096xf32, #tpu.memory_space<vmem>>, vector<1x16xf32>,
      %get3A_136 = vector.shape_cast %get3A_135 : vector<1x16xf32> to vector<16xf32>
      %max3A_137 = arith.constant 0.000000e+00 : f32
      %max3A_138 = vector.broadcast %max3A_137 : f32 to vector<16xf32>
      %max3A_139 = arith.maximumf %get3A_136, %max3A_138 : vector<16xf32>
      %add3A_140 = arith.addf %add3A_96, %max3A_139 : vector<16xf32>
      %add3A_141 = arith.constant 16 : i32
      %add3A_142 = arith.addi %mul3A_122, %add3A_141 : i32
      %get3A_143 = arith.constant 0 : i32
      %get3A_144 = arith.index_cast %get3A_143 : i32 to index
      %get3A_145 = arith.index_cast %add3A_142 : i32 to index
      %get3A_146 = tpu.vector_load %arg5[%get3A_144, %get3A_145] {strides = array<i32>} : memref<2x4096xf32, #tpu.memory_space<vmem>>, vector<1x16xf32>,
      %get3A_147 = vector.shape_cast %get3A_146 : vector<1x16xf32> to vector<16xf32>
      %max3A_148 = arith.constant 0.000000e+00 : f32
      %max3A_149 = vector.broadcast %max3A_148 : f32 to vector<16xf32>
      %max3A_150 = arith.maximumf %get3A_147, %max3A_149 : vector<16xf32>
      %add3A_151 = arith.addf %add3A_107, %max3A_150 : vector<16xf32>
      %get3A_152 = arith.constant 1 : i32
      %get3A_153 = arith.index_cast %get3A_152 : i32 to index
      %get3A_154 = arith.index_cast %add3A_142 : i32 to index
      %get3A_155 = tpu.vector_load %arg5[%get3A_153, %get3A_154] {strides = array<i32>} : memref<2x4096xf32, #tpu.memory_space<vmem>>, vector<1x16xf32>,
      %get3A_156 = vector.shape_cast %get3A_155 : vector<1x16xf32> to vector<16xf32>
      %max3A_157 = arith.constant 0.000000e+00 : f32
      %max3A_158 = vector.broadcast %max3A_157 : f32 to vector<16xf32>
      %max3A_159 = arith.maximumf %get3A_156, %max3A_158 : vector<16xf32>
      %add3A_160 = arith.addf %add3A_116, %max3A_159 : vector<16xf32>
      %mul3A_161 = arith.constant 8 : i32
      %mul3A_162 = arith.muli %scan3A_70, %mul3A_161 : i32
      %add3A_163 = arith.constant 4 : i32
      %add3A_164 = arith.addi %mul3A_162, %add3A_163 : i32
      %mul3A_165 = arith.constant 16 : i32
      %mul3A_166 = arith.muli %add3A_164, %mul3A_165 : i32
      %get3A_167 = arith.constant 0 : i32
      %get3A_168 = arith.index_cast %get3A_167 : i32 to index
      %get3A_169 = arith.index_cast %mul3A_166 : i32 to index
      %get3A_170 = tpu.vector_load %arg5[%get3A_168, %get3A_169] {strides = array<i32>} : memref<2x4096xf32, #tpu.memory_space<vmem>>, vector<1x16xf32>,
      %get3A_171 = vector.shape_cast %get3A_170 : vector<1x16xf32> to vector<16xf32>
      %max3A_172 = arith.constant 0.000000e+00 : f32
      %max3A_173 = vector.broadcast %max3A_172 : f32 to vector<16xf32>
      %max3A_174 = arith.maximumf %get3A_171, %max3A_173 : vector<16xf32>
      %add3A_175 = arith.addf %add3A_131, %max3A_174 : vector<16xf32>
      %get3A_176 = arith.constant 1 : i32
      %get3A_177 = arith.index_cast %get3A_176 : i32 to index
      %get3A_178 = arith.index_cast %mul3A_166 : i32 to index
      %get3A_179 = tpu.vector_load %arg5[%get3A_177, %get3A_178] {strides = array<i32>} : memref<2x4096xf32, #tpu.memory_space<vmem>>, vector<1x16xf32>,
      %get3A_180 = vector.shape_cast %get3A_179 : vector<1x16xf32> to vector<16xf32>
      %max3A_181 = arith.constant 0.000000e+00 : f32
      %max3A_182 = vector.broadcast %max3A_181 : f32 to vector<16xf32>
      %max3A_183 = arith.maximumf %get3A_180, %max3A_182 : vector<16xf32>
      %add3A_184 = arith.addf %add3A_140, %max3A_183 : vector<16xf32>
      %add3A_185 = arith.constant 16 : i32
      %add3A_186 = arith.addi %mul3A_166, %add3A_185 : i32
      %get3A_187 = arith.constant 0 : i32
      %get3A_188 = arith.index_cast %get3A_187 : i32 to index
      %get3A_189 = arith.index_cast %add3A_186 : i32 to index
      %get3A_190 = tpu.vector_load %arg5[%get3A_188, %get3A_189] {strides = array<i32>} : memref<2x4096xf32, #tpu.memory_space<vmem>>, vector<1x16xf32>,
      %get3A_191 = vector.shape_cast %get3A_190 : vector<1x16xf32> to vector<16xf32>
      %max3A_192 = arith.constant 0.000000e+00 : f32
      %max3A_193 = vector.broadcast %max3A_192 : f32 to vector<16xf32>
      %max3A_194 = arith.maximumf %get3A_191, %max3A_193 : vector<16xf32>
      %add3A_195 = arith.addf %add3A_151, %max3A_194 : vector<16xf32>
      %get3A_196 = arith.constant 1 : i32
      %get3A_197 = arith.index_cast %get3A_196 : i32 to index
      %get3A_198 = arith.index_cast %add3A_186 : i32 to index
      %get3A_199 = tpu.vector_load %arg5[%get3A_197, %get3A_198] {strides = array<i32>} : memref<2x4096xf32, #tpu.memory_space<vmem>>, vector<1x16xf32>,
      %get3A_200 = vector.shape_cast %get3A_199 : vector<1x16xf32> to vector<16xf32>
      %max3A_201 = arith.constant 0.000000e+00 : f32
      %max3A_202 = vector.broadcast %max3A_201 : f32 to vector<16xf32>
      %max3A_203 = arith.maximumf %get3A_200, %max3A_202 : vector<16xf32>
      %add3A_204 = arith.addf %add3A_160, %max3A_203 : vector<16xf32>
      %mul3A_205 = arith.constant 8 : i32
      %mul3A_206 = arith.muli %scan3A_70, %mul3A_205 : i32
      %add3A_207 = arith.constant 6 : i32
      %add3A_208 = arith.addi %mul3A_206, %add3A_207 : i32
      %mul3A_209 = arith.constant 16 : i32
      %mul3A_210 = arith.muli %add3A_208, %mul3A_209 : i32
      %get3A_211 = arith.constant 0 : i32
      %get3A_212 = arith.index_cast %get3A_211 : i32 to index
      %get3A_213 = arith.index_cast %mul3A_210 : i32 to index
      %get3A_214 = tpu.vector_load %arg5[%get3A_212, %get3A_213] {strides = array<i32>} : memref<2x4096xf32, #tpu.memory_space<vmem>>, vector<1x16xf32>,
      %get3A_215 = vector.shape_cast %get3A_214 : vector<1x16xf32> to vector<16xf32>
      %max3A_216 = arith.constant 0.000000e+00 : f32
      %max3A_217 = vector.broadcast %max3A_216 : f32 to vector<16xf32>
      %max3A_218 = arith.maximumf %get3A_215, %max3A_217 : vector<16xf32>
      %add3A_219 = arith.addf %add3A_175, %max3A_218 : vector<16xf32>
      %get3A_220 = arith.constant 1 : i32
      %get3A_221 = arith.index_cast %get3A_220 : i32 to index
      %get3A_222 = arith.index_cast %mul3A_210 : i32 to index
      %get3A_223 = tpu.vector_load %arg5[%get3A_221, %get3A_222] {strides = array<i32>} : memref<2x4096xf32, #tpu.memory_space<vmem>>, vector<1x16xf32>,
      %get3A_224 = vector.shape_cast %get3A_223 : vector<1x16xf32> to vector<16xf32>
      %max3A_225 = arith.constant 0.000000e+00 : f32
      %max3A_226 = vector.broadcast %max3A_225 : f32 to vector<16xf32>
      %max3A_227 = arith.maximumf %get3A_224, %max3A_226 : vector<16xf32>
      %add3A_228 = arith.addf %add3A_184, %max3A_227 : vector<16xf32>
      %add3A_229 = arith.constant 16 : i32
      %add3A_230 = arith.addi %mul3A_210, %add3A_229 : i32
      %get3A_231 = arith.constant 0 : i32
      %get3A_232 = arith.index_cast %get3A_231 : i32 to index
      %get3A_233 = arith.index_cast %add3A_230 : i32 to index
      %get3A_234 = tpu.vector_load %arg5[%get3A_232, %get3A_233] {strides = array<i32>} : memref<2x4096xf32, #tpu.memory_space<vmem>>, vector<1x16xf32>,
      %get3A_235 = vector.shape_cast %get3A_234 : vector<1x16xf32> to vector<16xf32>
      %max3A_236 = arith.constant 0.000000e+00 : f32
      %max3A_237 = vector.broadcast %max3A_236 : f32 to vector<16xf32>
      %max3A_238 = arith.maximumf %get3A_235, %max3A_237 : vector<16xf32>
      %add3A_239 = arith.addf %add3A_195, %max3A_238 : vector<16xf32>
      %get3A_240 = arith.constant 1 : i32
      %get3A_241 = arith.index_cast %get3A_240 : i32 to index
      %get3A_242 = arith.index_cast %add3A_230 : i32 to index
      %get3A_243 = tpu.vector_load %arg5[%get3A_241, %get3A_242] {strides = array<i32>} : memref<2x4096xf32, #tpu.memory_space<vmem>>, vector<1x16xf32>,
      %get3A_244 = vector.shape_cast %get3A_243 : vector<1x16xf32> to vector<16xf32>
      %max3A_245 = arith.constant 0.000000e+00 : f32
      %max3A_246 = vector.broadcast %max3A_245 : f32 to vector<16xf32>
      %max3A_247 = arith.maximumf %get3A_244, %max3A_246 : vector<16xf32>
      %add3A_248 = arith.addf %add3A_204, %max3A_247 : vector<16xf32>
      scf.yield %add3A_219, %add3A_228, %add3A_239, %add3A_248 : vector<16xf32>, vector<16xf32>, vector<16xf32>, vector<16xf32>
    }
    %scan3A_32 = arith.constant 32 : i32
    %dma_wait3A_33 = arith.constant 8192 : i32
    %dma_wait3A_34 = tpu.memref_slice %arg2[%mul3A_2, %dma_wait3A_33] : memref<64x16384xf32, #tpu.memory_space<hbm>> -> memref<2x4096xf32, #tpu.memory_space<hbm>>
    %dma_wait3A_35 = arith.constant 8192 : i32
    %dma_wait3A_36 = tpu.memref_slice %arg2[%mul3A_2, %dma_wait3A_35] : memref<64x16384xf32, #tpu.memory_space<hbm>> -> memref<2x4096xf32, #tpu.memory_space<hbm>>
    tpu.wait_dma2 semaphore(%arg7 : memref<!tpu.dma_semaphore, #tpu.memory_space<semaphore_mem>>) src(%dma_wait3A_36 : memref<2x4096xf32, #tpu.memory_space<hbm>>) dst(%arg4 : memref<2x4096xf32, #tpu.memory_space<vmem>>)
    %dma_start3A_37 = arith.constant 12288 : i32
    %dma_start3A_38 = tpu.memref_slice %arg2[%mul3A_2, %dma_start3A_37] : memref<64x16384xf32, #tpu.memory_space<hbm>> -> memref<2x4096xf32, #tpu.memory_space<hbm>>
    %dma_start3A_39 = arith.constant 12288 : i32
    %dma_start3A_40 = tpu.memref_slice %arg2[%mul3A_2, %dma_start3A_39] : memref<64x16384xf32, #tpu.memory_space<hbm>> -> memref<2x4096xf32, #tpu.memory_space<hbm>>
    tpu.enqueue_dma source(%dma_start3A_40 : memref<2x4096xf32, #tpu.memory_space<hbm>>) target(%arg5 : memref<2x4096xf32, #tpu.memory_space<vmem>>) target_semaphore(%arg8 : memref<!tpu.dma_semaphore, #tpu.memory_space<semaphore_mem>>)
    %scan3A_41 = arith.constant 0 : i32
    %scan3A_42 = arith.constant 32 : i32
    %scan3A_43 = arith.addi %scan3A_41, %scan3A_42 : i32
    %scan3A_44 = arith.constant 1 : i32
    %scan3A_45:4 = scf.for %scan3A_70 = %scan3A_41 to %scan3A_43 step %scan3A_44 iter_args(%scan3A_71 = %scan3A_31#0, %scan3A_72 = %scan3A_31#1, %scan3A_73 = %scan3A_31#2, %scan3A_74 = %scan3A_31#3) -> (vector<16xf32>, vector<16xf32>, vector<16xf32>, vector<16xf32>)  : i32 {
      %mul3A_75 = arith.constant 8 : i32
      %mul3A_76 = arith.muli %scan3A_70, %mul3A_75 : i32
      %add3A_77 = arith.constant 0 : i32
      %add3A_78 = arith.addi %mul3A_76, %add3A_77 : i32
      %mul3A_79 = arith.constant 16 : i32
      %mul3A_80 = arith.muli %add3A_78, %mul3A_79 : i32
      %get3A = arith.constant 0 : i32
      %get3A_81 = arith.index_cast %get3A : i32 to index
      %get3A_82 = arith.index_cast %mul3A_80 : i32 to index
      %get3A_83 = tpu.vector_load %arg4[%get3A_81, %get3A_82] {strides = array<i32>} : memref<2x4096xf32, #tpu.memory_space<vmem>>, vector<1x16xf32>,
      %get3A_84 = vector.shape_cast %get3A_83 : vector<1x16xf32> to vector<16xf32>
      %max3A = arith.constant 0.000000e+00 : f32
      %max3A_85 = vector.broadcast %max3A : f32 to vector<16xf32>
      %max3A_86 = arith.maximumf %get3A_84, %max3A_85 : vector<16xf32>
      %add3A_87 = arith.addf %scan3A_71, %max3A_86 : vector<16xf32>
      %get3A_88 = arith.constant 1 : i32
      %get3A_89 = arith.index_cast %get3A_88 : i32 to index
      %get3A_90 = arith.index_cast %mul3A_80 : i32 to index
      %get3A_91 = tpu.vector_load %arg4[%get3A_89, %get3A_90] {strides = array<i32>} : memref<2x4096xf32, #tpu.memory_space<vmem>>, vector<1x16xf32>,
      %get3A_92 = vector.shape_cast %get3A_91 : vector<1x16xf32> to vector<16xf32>
      %max3A_93 = arith.constant 0.000000e+00 : f32
      %max3A_94 = vector.broadcast %max3A_93 : f32 to vector<16xf32>
      %max3A_95 = arith.maximumf %get3A_92, %max3A_94 : vector<16xf32>
      %add3A_96 = arith.addf %scan3A_72, %max3A_95 : vector<16xf32>
      %add3A_97 = arith.constant 16 : i32
      %add3A_98 = arith.addi %mul3A_80, %add3A_97 : i32
      %get3A_99 = arith.constant 0 : i32
      %get3A_100 = arith.index_cast %get3A_99 : i32 to index
      %get3A_101 = arith.index_cast %add3A_98 : i32 to index
      %get3A_102 = tpu.vector_load %arg4[%get3A_100, %get3A_101] {strides = array<i32>} : memref<2x4096xf32, #tpu.memory_space<vmem>>, vector<1x16xf32>,
      %get3A_103 = vector.shape_cast %get3A_102 : vector<1x16xf32> to vector<16xf32>
      %max3A_104 = arith.constant 0.000000e+00 : f32
      %max3A_105 = vector.broadcast %max3A_104 : f32 to vector<16xf32>
      %max3A_106 = arith.maximumf %get3A_103, %max3A_105 : vector<16xf32>
      %add3A_107 = arith.addf %scan3A_73, %max3A_106 : vector<16xf32>
      %get3A_108 = arith.constant 1 : i32
      %get3A_109 = arith.index_cast %get3A_108 : i32 to index
      %get3A_110 = arith.index_cast %add3A_98 : i32 to index
      %get3A_111 = tpu.vector_load %arg4[%get3A_109, %get3A_110] {strides = array<i32>} : memref<2x4096xf32, #tpu.memory_space<vmem>>, vector<1x16xf32>,
      %get3A_112 = vector.shape_cast %get3A_111 : vector<1x16xf32> to vector<16xf32>
      %max3A_113 = arith.constant 0.000000e+00 : f32
      %max3A_114 = vector.broadcast %max3A_113 : f32 to vector<16xf32>
      %max3A_115 = arith.maximumf %get3A_112, %max3A_114 : vector<16xf32>
      %add3A_116 = arith.addf %scan3A_74, %max3A_115 : vector<16xf32>
      %mul3A_117 = arith.constant 8 : i32
      %mul3A_118 = arith.muli %scan3A_70, %mul3A_117 : i32
      %add3A_119 = arith.constant 2 : i32
      %add3A_120 = arith.addi %mul3A_118, %add3A_119 : i32
      %mul3A_121 = arith.constant 16 : i32
      %mul3A_122 = arith.muli %add3A_120, %mul3A_121 : i32
      %get3A_123 = arith.constant 0 : i32
      %get3A_124 = arith.index_cast %get3A_123 : i32 to index
      %get3A_125 = arith.index_cast %mul3A_122 : i32 to index
      %get3A_126 = tpu.vector_load %arg4[%get3A_124, %get3A_125] {strides = array<i32>} : memref<2x4096xf32, #tpu.memory_space<vmem>>, vector<1x16xf32>,
      %get3A_127 = vector.shape_cast %get3A_126 : vector<1x16xf32> to vector<16xf32>
      %max3A_128 = arith.constant 0.000000e+00 : f32
      %max3A_129 = vector.broadcast %max3A_128 : f32 to vector<16xf32>
      %max3A_130 = arith.maximumf %get3A_127, %max3A_129 : vector<16xf32>
      %add3A_131 = arith.addf %add3A_87, %max3A_130 : vector<16xf32>
      %get3A_132 = arith.constant 1 : i32
      %get3A_133 = arith.index_cast %get3A_132 : i32 to index
      %get3A_134 = arith.index_cast %mul3A_122 : i32 to index
      %get3A_135 = tpu.vector_load %arg4[%get3A_133, %get3A_134] {strides = array<i32>} : memref<2x4096xf32, #tpu.memory_space<vmem>>, vector<1x16xf32>,
      %get3A_136 = vector.shape_cast %get3A_135 : vector<1x16xf32> to vector<16xf32>
      %max3A_137 = arith.constant 0.000000e+00 : f32
      %max3A_138 = vector.broadcast %max3A_137 : f32 to vector<16xf32>
      %max3A_139 = arith.maximumf %get3A_136, %max3A_138 : vector<16xf32>
      %add3A_140 = arith.addf %add3A_96, %max3A_139 : vector<16xf32>
      %add3A_141 = arith.constant 16 : i32
      %add3A_142 = arith.addi %mul3A_122, %add3A_141 : i32
      %get3A_143 = arith.constant 0 : i32
      %get3A_144 = arith.index_cast %get3A_143 : i32 to index
      %get3A_145 = arith.index_cast %add3A_142 : i32 to index
      %get3A_146 = tpu.vector_load %arg4[%get3A_144, %get3A_145] {strides = array<i32>} : memref<2x4096xf32, #tpu.memory_space<vmem>>, vector<1x16xf32>,
      %get3A_147 = vector.shape_cast %get3A_146 : vector<1x16xf32> to vector<16xf32>
      %max3A_148 = arith.constant 0.000000e+00 : f32
      %max3A_149 = vector.broadcast %max3A_148 : f32 to vector<16xf32>
      %max3A_150 = arith.maximumf %get3A_147, %max3A_149 : vector<16xf32>
      %add3A_151 = arith.addf %add3A_107, %max3A_150 : vector<16xf32>
      %get3A_152 = arith.constant 1 : i32
      %get3A_153 = arith.index_cast %get3A_152 : i32 to index
      %get3A_154 = arith.index_cast %add3A_142 : i32 to index
      %get3A_155 = tpu.vector_load %arg4[%get3A_153, %get3A_154] {strides = array<i32>} : memref<2x4096xf32, #tpu.memory_space<vmem>>, vector<1x16xf32>,
      %get3A_156 = vector.shape_cast %get3A_155 : vector<1x16xf32> to vector<16xf32>
      %max3A_157 = arith.constant 0.000000e+00 : f32
      %max3A_158 = vector.broadcast %max3A_157 : f32 to vector<16xf32>
      %max3A_159 = arith.maximumf %get3A_156, %max3A_158 : vector<16xf32>
      %add3A_160 = arith.addf %add3A_116, %max3A_159 : vector<16xf32>
      %mul3A_161 = arith.constant 8 : i32
      %mul3A_162 = arith.muli %scan3A_70, %mul3A_161 : i32
      %add3A_163 = arith.constant 4 : i32
      %add3A_164 = arith.addi %mul3A_162, %add3A_163 : i32
      %mul3A_165 = arith.constant 16 : i32
      %mul3A_166 = arith.muli %add3A_164, %mul3A_165 : i32
      %get3A_167 = arith.constant 0 : i32
      %get3A_168 = arith.index_cast %get3A_167 : i32 to index
      %get3A_169 = arith.index_cast %mul3A_166 : i32 to index
      %get3A_170 = tpu.vector_load %arg4[%get3A_168, %get3A_169] {strides = array<i32>} : memref<2x4096xf32, #tpu.memory_space<vmem>>, vector<1x16xf32>,
      %get3A_171 = vector.shape_cast %get3A_170 : vector<1x16xf32> to vector<16xf32>
      %max3A_172 = arith.constant 0.000000e+00 : f32
      %max3A_173 = vector.broadcast %max3A_172 : f32 to vector<16xf32>
      %max3A_174 = arith.maximumf %get3A_171, %max3A_173 : vector<16xf32>
      %add3A_175 = arith.addf %add3A_131, %max3A_174 : vector<16xf32>
      %get3A_176 = arith.constant 1 : i32
      %get3A_177 = arith.index_cast %get3A_176 : i32 to index
      %get3A_178 = arith.index_cast %mul3A_166 : i32 to index
      %get3A_179 = tpu.vector_load %arg4[%get3A_177, %get3A_178] {strides = array<i32>} : memref<2x4096xf32, #tpu.memory_space<vmem>>, vector<1x16xf32>,
      %get3A_180 = vector.shape_cast %get3A_179 : vector<1x16xf32> to vector<16xf32>
      %max3A_181 = arith.constant 0.000000e+00 : f32
      %max3A_182 = vector.broadcast %max3A_181 : f32 to vector<16xf32>
      %max3A_183 = arith.maximumf %get3A_180, %max3A_182 : vector<16xf32>
      %add3A_184 = arith.addf %add3A_140, %max3A_183 : vector<16xf32>
      %add3A_185 = arith.constant 16 : i32
      %add3A_186 = arith.addi %mul3A_166, %add3A_185 : i32
      %get3A_187 = arith.constant 0 : i32
      %get3A_188 = arith.index_cast %get3A_187 : i32 to index
      %get3A_189 = arith.index_cast %add3A_186 : i32 to index
      %get3A_190 = tpu.vector_load %arg4[%get3A_188, %get3A_189] {strides = array<i32>} : memref<2x4096xf32, #tpu.memory_space<vmem>>, vector<1x16xf32>,
      %get3A_191 = vector.shape_cast %get3A_190 : vector<1x16xf32> to vector<16xf32>
      %max3A_192 = arith.constant 0.000000e+00 : f32
      %max3A_193 = vector.broadcast %max3A_192 : f32 to vector<16xf32>
      %max3A_194 = arith.maximumf %get3A_191, %max3A_193 : vector<16xf32>
      %add3A_195 = arith.addf %add3A_151, %max3A_194 : vector<16xf32>
      %get3A_196 = arith.constant 1 : i32
      %get3A_197 = arith.index_cast %get3A_196 : i32 to index
      %get3A_198 = arith.index_cast %add3A_186 : i32 to index
      %get3A_199 = tpu.vector_load %arg4[%get3A_197, %get3A_198] {strides = array<i32>} : memref<2x4096xf32, #tpu.memory_space<vmem>>, vector<1x16xf32>,
      %get3A_200 = vector.shape_cast %get3A_199 : vector<1x16xf32> to vector<16xf32>
      %max3A_201 = arith.constant 0.000000e+00 : f32
      %max3A_202 = vector.broadcast %max3A_201 : f32 to vector<16xf32>
      %max3A_203 = arith.maximumf %get3A_200, %max3A_202 : vector<16xf32>
      %add3A_204 = arith.addf %add3A_160, %max3A_203 : vector<16xf32>
      %mul3A_205 = arith.constant 8 : i32
      %mul3A_206 = arith.muli %scan3A_70, %mul3A_205 : i32
      %add3A_207 = arith.constant 6 : i32
      %add3A_208 = arith.addi %mul3A_206, %add3A_207 : i32
      %mul3A_209 = arith.constant 16 : i32
      %mul3A_210 = arith.muli %add3A_208, %mul3A_209 : i32
      %get3A_211 = arith.constant 0 : i32
      %get3A_212 = arith.index_cast %get3A_211 : i32 to index
      %get3A_213 = arith.index_cast %mul3A_210 : i32 to index
      %get3A_214 = tpu.vector_load %arg4[%get3A_212, %get3A_213] {strides = array<i32>} : memref<2x4096xf32, #tpu.memory_space<vmem>>, vector<1x16xf32>,
      %get3A_215 = vector.shape_cast %get3A_214 : vector<1x16xf32> to vector<16xf32>
      %max3A_216 = arith.constant 0.000000e+00 : f32
      %max3A_217 = vector.broadcast %max3A_216 : f32 to vector<16xf32>
      %max3A_218 = arith.maximumf %get3A_215, %max3A_217 : vector<16xf32>
      %add3A_219 = arith.addf %add3A_175, %max3A_218 : vector<16xf32>
      %get3A_220 = arith.constant 1 : i32
      %get3A_221 = arith.index_cast %get3A_220 : i32 to index
      %get3A_222 = arith.index_cast %mul3A_210 : i32 to index
      %get3A_223 = tpu.vector_load %arg4[%get3A_221, %get3A_222] {strides = array<i32>} : memref<2x4096xf32, #tpu.memory_space<vmem>>, vector<1x16xf32>,
      %get3A_224 = vector.shape_cast %get3A_223 : vector<1x16xf32> to vector<16xf32>
      %max3A_225 = arith.constant 0.000000e+00 : f32
      %max3A_226 = vector.broadcast %max3A_225 : f32 to vector<16xf32>
      %max3A_227 = arith.maximumf %get3A_224, %max3A_226 : vector<16xf32>
      %add3A_228 = arith.addf %add3A_184, %max3A_227 : vector<16xf32>
      %add3A_229 = arith.constant 16 : i32
      %add3A_230 = arith.addi %mul3A_210, %add3A_229 : i32
      %get3A_231 = arith.constant 0 : i32
      %get3A_232 = arith.index_cast %get3A_231 : i32 to index
      %get3A_233 = arith.index_cast %add3A_230 : i32 to index
      %get3A_234 = tpu.vector_load %arg4[%get3A_232, %get3A_233] {strides = array<i32>} : memref<2x4096xf32, #tpu.memory_space<vmem>>, vector<1x16xf32>,
      %get3A_235 = vector.shape_cast %get3A_234 : vector<1x16xf32> to vector<16xf32>
      %max3A_236 = arith.constant 0.000000e+00 : f32
      %max3A_237 = vector.broadcast %max3A_236 : f32 to vector<16xf32>
      %max3A_238 = arith.maximumf %get3A_235, %max3A_237 : vector<16xf32>
      %add3A_239 = arith.addf %add3A_195, %max3A_238 : vector<16xf32>
      %get3A_240 = arith.constant 1 : i32
      %get3A_241 = arith.index_cast %get3A_240 : i32 to index
      %get3A_242 = arith.index_cast %add3A_230 : i32 to index
      %get3A_243 = tpu.vector_load %arg4[%get3A_241, %get3A_242] {strides = array<i32>} : memref<2x4096xf32, #tpu.memory_space<vmem>>, vector<1x16xf32>,
      %get3A_244 = vector.shape_cast %get3A_243 : vector<1x16xf32> to vector<16xf32>
      %max3A_245 = arith.constant 0.000000e+00 : f32
      %max3A_246 = vector.broadcast %max3A_245 : f32 to vector<16xf32>
      %max3A_247 = arith.maximumf %get3A_244, %max3A_246 : vector<16xf32>
      %add3A_248 = arith.addf %add3A_204, %max3A_247 : vector<16xf32>
      scf.yield %add3A_219, %add3A_228, %add3A_239, %add3A_248 : vector<16xf32>, vector<16xf32>, vector<16xf32>, vector<16xf32>
    }
    %scan3A_46 = arith.constant 32 : i32
    %dma_wait3A_47 = arith.constant 12288 : i32
    %dma_wait3A_48 = tpu.memref_slice %arg2[%mul3A_2, %dma_wait3A_47] : memref<64x16384xf32, #tpu.memory_space<hbm>> -> memref<2x4096xf32, #tpu.memory_space<hbm>>
    %dma_wait3A_49 = arith.constant 12288 : i32
    %dma_wait3A_50 = tpu.memref_slice %arg2[%mul3A_2, %dma_wait3A_49] : memref<64x16384xf32, #tpu.memory_space<hbm>> -> memref<2x4096xf32, #tpu.memory_space<hbm>>
    tpu.wait_dma2 semaphore(%arg8 : memref<!tpu.dma_semaphore, #tpu.memory_space<semaphore_mem>>) src(%dma_wait3A_50 : memref<2x4096xf32, #tpu.memory_space<hbm>>) dst(%arg5 : memref<2x4096xf32, #tpu.memory_space<vmem>>)
    %scan3A_51 = arith.constant 0 : i32
    %scan3A_52 = arith.constant 32 : i32
    %scan3A_53 = arith.addi %scan3A_51, %scan3A_52 : i32
    %scan3A_54 = arith.constant 1 : i32
    %scan3A_55:4 = scf.for %scan3A_70 = %scan3A_51 to %scan3A_53 step %scan3A_54 iter_args(%scan3A_71 = %scan3A_45#0, %scan3A_72 = %scan3A_45#1, %scan3A_73 = %scan3A_45#2, %scan3A_74 = %scan3A_45#3) -> (vector<16xf32>, vector<16xf32>, vector<16xf32>, vector<16xf32>)  : i32 {
      %mul3A_75 = arith.constant 8 : i32
      %mul3A_76 = arith.muli %scan3A_70, %mul3A_75 : i32
      %add3A_77 = arith.constant 0 : i32
      %add3A_78 = arith.addi %mul3A_76, %add3A_77 : i32
      %mul3A_79 = arith.constant 16 : i32
      %mul3A_80 = arith.muli %add3A_78, %mul3A_79 : i32
      %get3A = arith.constant 0 : i32
      %get3A_81 = arith.index_cast %get3A : i32 to index
      %get3A_82 = arith.index_cast %mul3A_80 : i32 to index
      %get3A_83 = tpu.vector_load %arg5[%get3A_81, %get3A_82] {strides = array<i32>} : memref<2x4096xf32, #tpu.memory_space<vmem>>, vector<1x16xf32>,
      %get3A_84 = vector.shape_cast %get3A_83 : vector<1x16xf32> to vector<16xf32>
      %max3A = arith.constant 0.000000e+00 : f32
      %max3A_85 = vector.broadcast %max3A : f32 to vector<16xf32>
      %max3A_86 = arith.maximumf %get3A_84, %max3A_85 : vector<16xf32>
      %add3A_87 = arith.addf %scan3A_71, %max3A_86 : vector<16xf32>
      %get3A_88 = arith.constant 1 : i32
      %get3A_89 = arith.index_cast %get3A_88 : i32 to index
      %get3A_90 = arith.index_cast %mul3A_80 : i32 to index
      %get3A_91 = tpu.vector_load %arg5[%get3A_89, %get3A_90] {strides = array<i32>} : memref<2x4096xf32, #tpu.memory_space<vmem>>, vector<1x16xf32>,
      %get3A_92 = vector.shape_cast %get3A_91 : vector<1x16xf32> to vector<16xf32>
      %max3A_93 = arith.constant 0.000000e+00 : f32
      %max3A_94 = vector.broadcast %max3A_93 : f32 to vector<16xf32>
      %max3A_95 = arith.maximumf %get3A_92, %max3A_94 : vector<16xf32>
      %add3A_96 = arith.addf %scan3A_72, %max3A_95 : vector<16xf32>
      %add3A_97 = arith.constant 16 : i32
      %add3A_98 = arith.addi %mul3A_80, %add3A_97 : i32
      %get3A_99 = arith.constant 0 : i32
      %get3A_100 = arith.index_cast %get3A_99 : i32 to index
      %get3A_101 = arith.index_cast %add3A_98 : i32 to index
      %get3A_102 = tpu.vector_load %arg5[%get3A_100, %get3A_101] {strides = array<i32>} : memref<2x4096xf32, #tpu.memory_space<vmem>>, vector<1x16xf32>,
      %get3A_103 = vector.shape_cast %get3A_102 : vector<1x16xf32> to vector<16xf32>
      %max3A_104 = arith.constant 0.000000e+00 : f32
      %max3A_105 = vector.broadcast %max3A_104 : f32 to vector<16xf32>
      %max3A_106 = arith.maximumf %get3A_103, %max3A_105 : vector<16xf32>
      %add3A_107 = arith.addf %scan3A_73, %max3A_106 : vector<16xf32>
      %get3A_108 = arith.constant 1 : i32
      %get3A_109 = arith.index_cast %get3A_108 : i32 to index
      %get3A_110 = arith.index_cast %add3A_98 : i32 to index
      %get3A_111 = tpu.vector_load %arg5[%get3A_109, %get3A_110] {strides = array<i32>} : memref<2x4096xf32, #tpu.memory_space<vmem>>, vector<1x16xf32>,
      %get3A_112 = vector.shape_cast %get3A_111 : vector<1x16xf32> to vector<16xf32>
      %max3A_113 = arith.constant 0.000000e+00 : f32
      %max3A_114 = vector.broadcast %max3A_113 : f32 to vector<16xf32>
      %max3A_115 = arith.maximumf %get3A_112, %max3A_114 : vector<16xf32>
      %add3A_116 = arith.addf %scan3A_74, %max3A_115 : vector<16xf32>
      %mul3A_117 = arith.constant 8 : i32
      %mul3A_118 = arith.muli %scan3A_70, %mul3A_117 : i32
      %add3A_119 = arith.constant 2 : i32
      %add3A_120 = arith.addi %mul3A_118, %add3A_119 : i32
      %mul3A_121 = arith.constant 16 : i32
      %mul3A_122 = arith.muli %add3A_120, %mul3A_121 : i32
      %get3A_123 = arith.constant 0 : i32
      %get3A_124 = arith.index_cast %get3A_123 : i32 to index
      %get3A_125 = arith.index_cast %mul3A_122 : i32 to index
      %get3A_126 = tpu.vector_load %arg5[%get3A_124, %get3A_125] {strides = array<i32>} : memref<2x4096xf32, #tpu.memory_space<vmem>>, vector<1x16xf32>,
      %get3A_127 = vector.shape_cast %get3A_126 : vector<1x16xf32> to vector<16xf32>
      %max3A_128 = arith.constant 0.000000e+00 : f32
      %max3A_129 = vector.broadcast %max3A_128 : f32 to vector<16xf32>
      %max3A_130 = arith.maximumf %get3A_127, %max3A_129 : vector<16xf32>
      %add3A_131 = arith.addf %add3A_87, %max3A_130 : vector<16xf32>
      %get3A_132 = arith.constant 1 : i32
      %get3A_133 = arith.index_cast %get3A_132 : i32 to index
      %get3A_134 = arith.index_cast %mul3A_122 : i32 to index
      %get3A_135 = tpu.vector_load %arg5[%get3A_133, %get3A_134] {strides = array<i32>} : memref<2x4096xf32, #tpu.memory_space<vmem>>, vector<1x16xf32>,
      %get3A_136 = vector.shape_cast %get3A_135 : vector<1x16xf32> to vector<16xf32>
      %max3A_137 = arith.constant 0.000000e+00 : f32
      %max3A_138 = vector.broadcast %max3A_137 : f32 to vector<16xf32>
      %max3A_139 = arith.maximumf %get3A_136, %max3A_138 : vector<16xf32>
      %add3A_140 = arith.addf %add3A_96, %max3A_139 : vector<16xf32>
      %add3A_141 = arith.constant 16 : i32
      %add3A_142 = arith.addi %mul3A_122, %add3A_141 : i32
      %get3A_143 = arith.constant 0 : i32
      %get3A_144 = arith.index_cast %get3A_143 : i32 to index
      %get3A_145 = arith.index_cast %add3A_142 : i32 to index
      %get3A_146 = tpu.vector_load %arg5[%get3A_144, %get3A_145] {strides = array<i32>} : memref<2x4096xf32, #tpu.memory_space<vmem>>, vector<1x16xf32>,
      %get3A_147 = vector.shape_cast %get3A_146 : vector<1x16xf32> to vector<16xf32>
      %max3A_148 = arith.constant 0.000000e+00 : f32
      %max3A_149 = vector.broadcast %max3A_148 : f32 to vector<16xf32>
      %max3A_150 = arith.maximumf %get3A_147, %max3A_149 : vector<16xf32>
      %add3A_151 = arith.addf %add3A_107, %max3A_150 : vector<16xf32>
      %get3A_152 = arith.constant 1 : i32
      %get3A_153 = arith.index_cast %get3A_152 : i32 to index
      %get3A_154 = arith.index_cast %add3A_142 : i32 to index
      %get3A_155 = tpu.vector_load %arg5[%get3A_153, %get3A_154] {strides = array<i32>} : memref<2x4096xf32, #tpu.memory_space<vmem>>, vector<1x16xf32>,
      %get3A_156 = vector.shape_cast %get3A_155 : vector<1x16xf32> to vector<16xf32>
      %max3A_157 = arith.constant 0.000000e+00 : f32
      %max3A_158 = vector.broadcast %max3A_157 : f32 to vector<16xf32>
      %max3A_159 = arith.maximumf %get3A_156, %max3A_158 : vector<16xf32>
      %add3A_160 = arith.addf %add3A_116, %max3A_159 : vector<16xf32>
      %mul3A_161 = arith.constant 8 : i32
      %mul3A_162 = arith.muli %scan3A_70, %mul3A_161 : i32
      %add3A_163 = arith.constant 4 : i32
      %add3A_164 = arith.addi %mul3A_162, %add3A_163 : i32
      %mul3A_165 = arith.constant 16 : i32
      %mul3A_166 = arith.muli %add3A_164, %mul3A_165 : i32
      %get3A_167 = arith.constant 0 : i32
      %get3A_168 = arith.index_cast %get3A_167 : i32 to index
      %get3A_169 = arith.index_cast %mul3A_166 : i32 to index
      %get3A_170 = tpu.vector_load %arg5[%get3A_168, %get3A_169] {strides = array<i32>} : memref<2x4096xf32, #tpu.memory_space<vmem>>, vector<1x16xf32>,
      %get3A_171 = vector.shape_cast %get3A_170 : vector<1x16xf32> to vector<16xf32>
      %max3A_172 = arith.constant 0.000000e+00 : f32
      %max3A_173 = vector.broadcast %max3A_172 : f32 to vector<16xf32>
      %max3A_174 = arith.maximumf %get3A_171, %max3A_173 : vector<16xf32>
      %add3A_175 = arith.addf %add3A_131, %max3A_174 : vector<16xf32>
      %get3A_176 = arith.constant 1 : i32
      %get3A_177 = arith.index_cast %get3A_176 : i32 to index
      %get3A_178 = arith.index_cast %mul3A_166 : i32 to index
      %get3A_179 = tpu.vector_load %arg5[%get3A_177, %get3A_178] {strides = array<i32>} : memref<2x4096xf32, #tpu.memory_space<vmem>>, vector<1x16xf32>,
      %get3A_180 = vector.shape_cast %get3A_179 : vector<1x16xf32> to vector<16xf32>
      %max3A_181 = arith.constant 0.000000e+00 : f32
      %max3A_182 = vector.broadcast %max3A_181 : f32 to vector<16xf32>
      %max3A_183 = arith.maximumf %get3A_180, %max3A_182 : vector<16xf32>
      %add3A_184 = arith.addf %add3A_140, %max3A_183 : vector<16xf32>
      %add3A_185 = arith.constant 16 : i32
      %add3A_186 = arith.addi %mul3A_166, %add3A_185 : i32
      %get3A_187 = arith.constant 0 : i32
      %get3A_188 = arith.index_cast %get3A_187 : i32 to index
      %get3A_189 = arith.index_cast %add3A_186 : i32 to index
      %get3A_190 = tpu.vector_load %arg5[%get3A_188, %get3A_189] {strides = array<i32>} : memref<2x4096xf32, #tpu.memory_space<vmem>>, vector<1x16xf32>,
      %get3A_191 = vector.shape_cast %get3A_190 : vector<1x16xf32> to vector<16xf32>
      %max3A_192 = arith.constant 0.000000e+00 : f32
      %max3A_193 = vector.broadcast %max3A_192 : f32 to vector<16xf32>
      %max3A_194 = arith.maximumf %get3A_191, %max3A_193 : vector<16xf32>
      %add3A_195 = arith.addf %add3A_151, %max3A_194 : vector<16xf32>
      %get3A_196 = arith.constant 1 : i32
      %get3A_197 = arith.index_cast %get3A_196 : i32 to index
      %get3A_198 = arith.index_cast %add3A_186 : i32 to index
      %get3A_199 = tpu.vector_load %arg5[%get3A_197, %get3A_198] {strides = array<i32>} : memref<2x4096xf32, #tpu.memory_space<vmem>>, vector<1x16xf32>,
      %get3A_200 = vector.shape_cast %get3A_199 : vector<1x16xf32> to vector<16xf32>
      %max3A_201 = arith.constant 0.000000e+00 : f32
      %max3A_202 = vector.broadcast %max3A_201 : f32 to vector<16xf32>
      %max3A_203 = arith.maximumf %get3A_200, %max3A_202 : vector<16xf32>
      %add3A_204 = arith.addf %add3A_160, %max3A_203 : vector<16xf32>
      %mul3A_205 = arith.constant 8 : i32
      %mul3A_206 = arith.muli %scan3A_70, %mul3A_205 : i32
      %add3A_207 = arith.constant 6 : i32
      %add3A_208 = arith.addi %mul3A_206, %add3A_207 : i32
      %mul3A_209 = arith.constant 16 : i32
      %mul3A_210 = arith.muli %add3A_208, %mul3A_209 : i32
      %get3A_211 = arith.constant 0 : i32
      %get3A_212 = arith.index_cast %get3A_211 : i32 to index
      %get3A_213 = arith.index_cast %mul3A_210 : i32 to index
      %get3A_214 = tpu.vector_load %arg5[%get3A_212, %get3A_213] {strides = array<i32>} : memref<2x4096xf32, #tpu.memory_space<vmem>>, vector<1x16xf32>,
      %get3A_215 = vector.shape_cast %get3A_214 : vector<1x16xf32> to vector<16xf32>
      %max3A_216 = arith.constant 0.000000e+00 : f32
      %max3A_217 = vector.broadcast %max3A_216 : f32 to vector<16xf32>
      %max3A_218 = arith.maximumf %get3A_215, %max3A_217 : vector<16xf32>
      %add3A_219 = arith.addf %add3A_175, %max3A_218 : vector<16xf32>
      %get3A_220 = arith.constant 1 : i32
      %get3A_221 = arith.index_cast %get3A_220 : i32 to index
      %get3A_222 = arith.index_cast %mul3A_210 : i32 to index
      %get3A_223 = tpu.vector_load %arg5[%get3A_221, %get3A_222] {strides = array<i32>} : memref<2x4096xf32, #tpu.memory_space<vmem>>, vector<1x16xf32>,
      %get3A_224 = vector.shape_cast %get3A_223 : vector<1x16xf32> to vector<16xf32>
      %max3A_225 = arith.constant 0.000000e+00 : f32
      %max3A_226 = vector.broadcast %max3A_225 : f32 to vector<16xf32>
      %max3A_227 = arith.maximumf %get3A_224, %max3A_226 : vector<16xf32>
      %add3A_228 = arith.addf %add3A_184, %max3A_227 : vector<16xf32>
      %add3A_229 = arith.constant 16 : i32
      %add3A_230 = arith.addi %mul3A_210, %add3A_229 : i32
      %get3A_231 = arith.constant 0 : i32
      %get3A_232 = arith.index_cast %get3A_231 : i32 to index
      %get3A_233 = arith.index_cast %add3A_230 : i32 to index
      %get3A_234 = tpu.vector_load %arg5[%get3A_232, %get3A_233] {strides = array<i32>} : memref<2x4096xf32, #tpu.memory_space<vmem>>, vector<1x16xf32>,
      %get3A_235 = vector.shape_cast %get3A_234 : vector<1x16xf32> to vector<16xf32>
      %max3A_236 = arith.constant 0.000000e+00 : f32
      %max3A_237 = vector.broadcast %max3A_236 : f32 to vector<16xf32>
      %max3A_238 = arith.maximumf %get3A_235, %max3A_237 : vector<16xf32>
      %add3A_239 = arith.addf %add3A_195, %max3A_238 : vector<16xf32>
      %get3A_240 = arith.constant 1 : i32
      %get3A_241 = arith.index_cast %get3A_240 : i32 to index
      %get3A_242 = arith.index_cast %add3A_230 : i32 to index
      %get3A_243 = tpu.vector_load %arg5[%get3A_241, %get3A_242] {strides = array<i32>} : memref<2x4096xf32, #tpu.memory_space<vmem>>, vector<1x16xf32>,
      %get3A_244 = vector.shape_cast %get3A_243 : vector<1x16xf32> to vector<16xf32>
      %max3A_245 = arith.constant 0.000000e+00 : f32
      %max3A_246 = vector.broadcast %max3A_245 : f32 to vector<16xf32>
      %max3A_247 = arith.maximumf %get3A_244, %max3A_246 : vector<16xf32>
      %add3A_248 = arith.addf %add3A_204, %max3A_247 : vector<16xf32>
      scf.yield %add3A_219, %add3A_228, %add3A_239, %add3A_248 : vector<16xf32>, vector<16xf32>, vector<16xf32>, vector<16xf32>
    }
    %scan3A_56 = arith.constant 32 : i32
    %add3A_57 = arith.addf %scan3A_55#0, %scan3A_55#2 : vector<16xf32>
    %swap3A = arith.constant 0 : i32
    %swap3A_58 = arith.index_cast %swap3A : i32 to index
    %swap3A_59 = arith.constant 0 : index
    %swap3A_60 = tpu.vector_load %arg6[%swap3A_58, %swap3A_59] {strides = array<i32>} : memref<2x16xf32, #tpu.memory_space<vmem>>, vector<1x16xf32>,
    %swap3A_61 = vector.shape_cast %swap3A_60 : vector<1x16xf32> to vector<16xf32>
    %swap3A_62 = vector.shape_cast %add3A_57 : vector<16xf32> to vector<1x16xf32>
    tpu.vector_store %arg6[%swap3A_58, %swap3A_59], %swap3A_62 {strides = array<i32>} : memref<2x16xf32, #tpu.memory_space<vmem>>, vector<1x16xf32>,
    %add3A_63 = arith.addf %scan3A_55#1, %scan3A_55#3 : vector<16xf32>
    %swap3A_64 = arith.constant 1 : i32
    %swap3A_65 = arith.index_cast %swap3A_64 : i32 to index
    %swap3A_66 = arith.constant 0 : index
    %swap3A_67 = tpu.vector_load %arg6[%swap3A_65, %swap3A_66] {strides = array<i32>} : memref<2x16xf32, #tpu.memory_space<vmem>>, vector<1x16xf32>,
    %swap3A_68 = vector.shape_cast %swap3A_67 : vector<1x16xf32> to vector<16xf32>
    %swap3A_69 = vector.shape_cast %add3A_63 : vector<16xf32> to vector<1x16xf32>
    tpu.vector_store %arg6[%swap3A_65, %swap3A_66], %swap3A_69 {strides = array<i32>} : memref<2x16xf32, #tpu.memory_space<vmem>>, vector<1x16xf32>,
    "tpu.region"() ({
      %run_scoped3A = tpu.sem_alloc : memref<!tpu.dma_semaphore, #tpu.memory_space<semaphore_mem>>
      %dma_start3A_70 = arith.constant 0 : i32
      %dma_start3A_71 = tpu.memref_slice %arg3[%mul3A_2, %dma_start3A_70] : memref<64x16xf32, #tpu.memory_space<hbm>> -> memref<2x16xf32, #tpu.memory_space<hbm>>
      %dma_start3A_72 = arith.constant 0 : i32
      %dma_start3A_73 = tpu.memref_slice %arg3[%mul3A_2, %dma_start3A_72] : memref<64x16xf32, #tpu.memory_space<hbm>> -> memref<2x16xf32, #tpu.memory_space<hbm>>
      tpu.enqueue_dma source(%arg6 : memref<2x16xf32, #tpu.memory_space<vmem>>) target(%dma_start3A_73 : memref<2x16xf32, #tpu.memory_space<hbm>>) target_semaphore(%run_scoped3A : memref<!tpu.dma_semaphore, #tpu.memory_space<semaphore_mem>>)
      %dma_wait3A_74 = arith.constant 0 : i32
      %dma_wait3A_75 = tpu.memref_slice %arg3[%mul3A_2, %dma_wait3A_74] : memref<64x16xf32, #tpu.memory_space<hbm>> -> memref<2x16xf32, #tpu.memory_space<hbm>>
      %dma_wait3A_76 = arith.constant 0 : i32
      %dma_wait3A_77 = tpu.memref_slice %arg3[%mul3A_2, %dma_wait3A_76] : memref<64x16xf32, #tpu.memory_space<hbm>> -> memref<2x16xf32, #tpu.memory_space<hbm>>
      tpu.wait_dma2 semaphore(%run_scoped3A : memref<!tpu.dma_semaphore, #tpu.memory_space<semaphore_mem>>) src(%arg6 : memref<2x16xf32, #tpu.memory_space<vmem>>) dst(%dma_wait3A_77 : memref<2x16xf32, #tpu.memory_space<hbm>>)
      tpu.yield
    }) : () -> ()
    return
  }
}

module attributes {stable_mosaic.version = 14 : i64} {
  func.func @_combine(%arg0: memref<64x16xf32, #tpu.memory_space<vmem>>, %arg1: memref<1x1xf32, #tpu.memory_space<vmem>>) attributes {dimension_semantics = [], scalar_prefetch = 0 : i64, scratch_operands = 0 : i64, tpu.core_type = #tpu.core_type<tc>} {
    %get3A = arith.constant 0 : index
    %get3A_0 = arith.constant 0 : index
    %get3A_1 = vector.load %arg0[%get3A, %get3A_0] : memref<64x16xf32, #tpu.memory_space<vmem>>, vector<64x16xf32>
    %reduce_sum3A = arith.constant dense<0.000000e+00> : vector<64xf32>
    %reduce_sum3A_2 = vector.multi_reduction <add>, %get3A_1, %reduce_sum3A [1] : vector<64x16xf32> to vector<64xf32>
    %broadcast_in_dim3A = vector.shape_cast %reduce_sum3A_2 : vector<64xf32> to vector<64x1xf32>
    %mul3A = arith.mulf %broadcast_in_dim3A, %broadcast_in_dim3A : vector<64x1xf32>
    %reduce_sum3A_3 = vector.shape_cast %mul3A : vector<64x1xf32> to vector<1x64x1xf32>
    %reduce_sum3A_4 = arith.constant dense<0.000000e+00> : vector<1xf32>
    %reduce_sum3A_5 = vector.multi_reduction <add>, %reduce_sum3A_3, %reduce_sum3A_4 [1, 2] : vector<1x64x1xf32> to vector<1xf32>
    %reduce_sum3A_6 = vector.shape_cast %reduce_sum3A_5 : vector<1xf32> to vector<1x1x1xf32>
    %reduce_sum3A_7 = vector.extract %reduce_sum3A_6[0, 0, 0] : f32 from vector<1x1x1xf32>
    %broadcast_in_dim3A_8 = vector.broadcast %reduce_sum3A_7 : f32 to vector<1x1xf32>
    %swap3A = arith.constant 0 : index
    %swap3A_9 = arith.constant 0 : index
    %swap3A_10 = vector.load %arg1[%swap3A, %swap3A_9] : memref<1x1xf32, #tpu.memory_space<vmem>>, vector<1x1xf32>
    tpu.vector_store %arg1[%swap3A, %swap3A_9], %broadcast_in_dim3A_8 {strides = array<i32>} : memref<1x1xf32, #tpu.memory_space<vmem>>, vector<1x1xf32>,
    return
  }
}

</mosaic_0001>

<sc_bundles>
// kernel: kernel.4.cloned.1.call-start
scs
__scs_entry_jumppad:
0x0: {  	(pc) =	sbr.rel $0x88, $3  }
0x1: {  	(tag) =	ssettag $0x0;
	lr =	simm.s32 $0x1  }
0x2: {  	[smem:$0x3FA0] =	sst lr;
	_ =	strace $0xD0000000  }
0x3: {  	_ = 	snop  }
0x4: {  	_ = 	snop  }
0x5: {  	_ = 	snop  }
0x6: {  	_ = 	snop  }
0x7: {  	_ = 	snop  }
__scs_overlays_trampoline_lowered:
0x8: {  	[smem:$0x3FAF] =	sst s0  }
0x9: {  	[smem:$0x3FB0] =	sst s1  }
0xa: {  	[smem:$0x3FB1] =	sst s2  }
0xb: {  	[smem:$0x3FB2] =	sst s3  }
0xc: {  	[smem:$0x3FB3] =	sst s4  }
0xd: {  	[smem:$0x3FB4] =	sst s5  }
0xe: {  	[smem:$0x3FB5] =	sst s6  }
0xf: {  	[smem:$0x3FB6] =	sst s7  }
0x10: {  	[smem:$0x3FB7] =	sst s8  }
0x11: {  	[smem:$0x3FB8] =	sst s9;
	s0 =	simm.s32 @!p0 $0x0  }
0x12: {  	s1 =	sld [smem:$0x3F9E];
	s0 =	simm.s32 @p0 $0x1  }
0x13: {  	[smem:$0x3FB9] =	sst s0;
	s0 =	simm.s32 @!p1 $0x0  }
0x14: {  	s2 =	sld [smem:$0x3F9D];
	s0 =	simm.s32 @p1 $0x1  }
0x15: {  	[smem:$0x3FBA] =	sst s0;
	s0 =	simm.s32 @!p2 $0x0  }
0x16: {  	s3 =	sld [smem:$0x3FDB];
	s0 =	simm.s32 @p2 $0x1  }
0x17: {  	s4 =	simm.s32 $0x1BF5;
	[smem:$0x3FBC] =	sst s0  }
0x18: {  	s0 =	sld [smem:$0x3F9F];
	_ =	swait.ge [sflag:s4], $0x0  }
0x19: {  	s7 =	sld [smem:$0x3FA0]  }
0x1a: {  	s8 =	sadd.s32 $0xFFFFE003, lr  }
0x1b: {  	s9 =	sadd.s32 $0xFFFFFEF7, lr;
	s5 =	simm.s32 $0xFFFFFFFF;
	p2 =	slt.u32 s8, $0xFFFFF086  }
0x1c: {  	p1 =	slt.u32 s9, $0xF7A;
	s5 =	simm.s32 @!p2 $0x0  }
0x1d: {  	s5 =	simm.s32 @p1 $0x1;
	p0 =	seq.s32 s7, s2  }
0x1e: {  	s7 =	smul.u32 @!p0 $0xF7A, s2;
	p2 =	seq.s32 @!p0 s5, $0x0  }
0x1f: {  	s9 =	smul.u32 $0xF7A, s1;
	s8 =	simm.s32 @!p0 $0x1BF5;
	p2 =	por !p2, p0  }
0x20: {  	[sflag:s8] =	ssyncset.s32 @!p0 $0xFFFFF086;
	s6 =	sadd.s32 @!p0 s3, s7;
	s7 =	simm.s32 @!p0 $0x108  }
0x21: {  	s3 =	sadd.s32 s3, s9;
	s6 =	sadd.s32 @!p0 $0x88, s6;
	s7 =	simm.s32 @p2 $0x1082  }
0x22: {  	[simem:s7], [sflag:s8] =	dma.local @!p0 [hbm:s6], $0xF7A  }
0x23: {  	s9 =	sor.u32 $0xD0000000, s2;
	s6 =	simm.s32 $0x108;
	_ =	swait.ge @!p0 [sflag:s8], $0x0  }
0x24: {  	s3 =	sadd.s32 $0x88, s3;
	s6 =	simm.s32 @!p1 $0x1082;
	[sflag:s4] =	ssyncset.s32 $0xFFFFF086  }
0x25: {  	[simem:s6], [sflag:s4] =	dma.local [hbm:s3], $0xF7A  }
0x26: {  	[smem:$0x3FA0] =	sst s1;
	(tag) =	ssettag s2;
	_ =	strace s9  }
0x27: {  	s1 =	sld [smem:$0x3FB0]  }
0x28: {  	s2 =	sld [smem:$0x3FB1]  }
0x29: {  	s4 =	sld [smem:$0x3FB3]  }
0x2a: {  	p0 =	seq.s32 s5, $0x0;
	s5 =	sld [smem:$0x3FB4]  }
0x2b: {  	s6 =	sld [smem:$0x3FB5]  }
0x2c: {  	s7 =	sld [smem:$0x3FB6]  }
0x2d: {  	s3 =	simm.s32 $0x108;
	s8 =	sld [smem:$0x3FB7]  }
0x2e: {  	s3 =	simm.s32 @!p0 $0x1082;
	s9 =	sld [smem:$0x3FB8]  }
0x2f: {  	lr =	sadd.s32 s0, s3;
	s0 =	sld [smem:$0x3FAF]  }
0x30: {  	s3 =	sld [smem:$0x3FB2]  }
0x31: {  	[smem:$0x3FBB] =	sst s10  }
0x32: {  	s10 =	sld [smem:$0x3FB9];
	_ =	sdelay $0x3  }
0x33: {  	p0 =	seq.s32 s10, $0x1;
	s10 =	sld [smem:$0x3FBB];
	_ =	sdelay $0x3  }
0x34: {  	[smem:$0x3FBB] =	sst s10  }
0x35: {  	s10 =	sld [smem:$0x3FBA];
	_ =	sdelay $0x3  }
0x36: {  	p1 =	seq.s32 s10, $0x1;
	s10 =	sld [smem:$0x3FBB];
	_ =	sdelay $0x3  }
0x37: {  	[smem:$0x3FBB] =	sst s10  }
0x38: {  	s10 =	sld [smem:$0x3FBC]  }
0x39: {  	_ = 	snop;
	(pc) =	sbr.ind lr, $3  }
0x3a: {  	_ = 	snop  }
0x3b: {  	_ = 	snop  }
0x3c: {  	p2 =	seq.s32 s10, $0x1;
	s10 =	sld [smem:$0x3FBB]  }
0x3d: {  	_ =	shalt  }
0x3e: {  	_ =	shalt  }
0x3f: {  	_ =	shalt  }
0x40: {  	_ =	shalt  }
0x41: {  	_ =	shalt  }
0x42: {  	_ =	shalt  }
0x43: {  	_ =	shalt  }
0x44: {  	_ =	shalt  }
0x45: {  	_ =	shalt  }
0x46: {  	_ =	shalt  }
0x47: {  	_ =	shalt  }
0x48: {  	_ =	shalt  }
0x49: {  	_ =	shalt  }
0x4a: {  	_ =	shalt  }
0x4b: {  	_ =	shalt  }
0x4c: {  	_ =	shalt  }
0x4d: {  	_ =	shalt  }
0x4e: {  	_ =	shalt  }
0x4f: {  	_ =	shalt  }
0x50: {  	_ =	shalt  }
0x51: {  	_ =	shalt  }
0x52: {  	_ =	shalt  }
0x53: {  	_ =	shalt  }
0x54: {  	_ =	shalt  }
0x55: {  	_ =	shalt  }
0x56: {  	_ =	shalt  }
0x57: {  	_ =	shalt  }
0x58: {  	_ =	shalt  }
0x59: {  	_ =	shalt  }
0x5a: {  	_ =	shalt  }
0x5b: {  	_ =	shalt  }
0x5c: {  	_ =	shalt  }
0x5d: {  	_ =	shalt  }
0x5e: {  	_ =	shalt  }
0x5f: {  	_ =	shalt  }
0x60: {  	_ =	shalt  }
0x61: {  	_ =	shalt  }
0x62: {  	_ =	shalt  }
0x63: {  	_ =	shalt  }
0x64: {  	_ =	shalt  }
0x65: {  	_ =	shalt  }
0x66: {  	_ =	shalt  }
0x67: {  	_ =	shalt  }
0x68: {  	_ =	shalt  }
0x69: {  	_ =	shalt  }
0x6a: {  	_ =	shalt  }
0x6b: {  	_ =	shalt  }
0x6c: {  	_ =	shalt  }
0x6d: {  	_ =	shalt  }
0x6e: {  	_ =	shalt  }
0x6f: {  	_ =	shalt  }
0x70: {  	_ =	shalt  }
0x71: {  	_ =	shalt  }
0x72: {  	_ =	shalt  }
0x73: {  	_ =	shalt  }
0x74: {  	_ =	shalt  }
0x75: {  	_ =	shalt  }
0x76: {  	_ =	shalt  }
0x77: {  	_ =	shalt  }
0x78: {  	_ =	shalt  }
0x79: {  	_ =	shalt  }
0x7a: {  	_ =	shalt  }
0x7b: {  	_ =	shalt  }
0x7c: {  	_ =	shalt  }
0x7d: {  	_ =	shalt  }
0x7e: {  	_ =	shalt  }
0x7f: {  	_ =	shalt  }
0x80: {  	_ =	shalt  }
0x81: {  	_ =	shalt  }
0x82: {  	_ =	shalt  }
0x83: {  	_ =	shalt  }
0x84: {  	_ =	shalt  }
0x85: {  	_ =	shalt  }
0x86: {  	_ =	shalt  }
0x87: {  	_ =	shalt  }
.Lfunc_end0:
.L_simem_size_0:
called_computation_lowered:
.L_overlay_start_0:
0x88: {  	s2 =	sld [smem:$0x3FD9]  }
0x89: {  	s3 =	sld [smem:$0x3FFE];
	_ =	sdelay $0x1  }
0x8a: {  	s1 =	srdreg.scid  }
0x8b: {  	s0 =	sand.u32 $0x1, s1  }
0x8c: {  	s17 =	sshll.u32 s0, $0xA;
	s2 =	sadd.s32 s3, s2  }
0x8d: {  	s2 =	sadd.s32 s2, s17  }
0x8e: {  	[smem:$0x3FC7] =	sst s2  }
0x8f: {  	_ = 	snop  }
0x90: {  	s2 =	sld [smem:$0x3FC9];
	(tm) =	ssettm $0x1  }
0x91: {  	s18 =	sld [smem:$0x3FFB];
	_ =	sdelay $0x3  }
0x92: {  	_ =	strace s18  }
0x93: {  	s3 =	sld [smem:$0x3FFC];
	_ =	sdelay $0x3  }
0x94: {  	_ =	strace s3  }
0x95: {  	s3 =	sld [smem:$0x3FFD];
	_ =	sdelay $0x3  }
0x96: {  	_ =	strace s3  }
0x97: {  	_ =	strace $0x8FFFFFFF  }
0x98: {  	s19 =	sld [smem:$0x3FDB];
	_ =	sdelay $0x1  }
0x99: {  	s4 =	simm.s32 $_scs_section_size  }
0x9a: {  	s5 =	simm.s32 $_size__tile_overlayer_lowered;
	s6 =	simm.s32 $_tile_overlayer_lowered  }
0x9b: {  	s22 =	simm.s32 $0x1BFF;
	s21 =	sshll.u32 s6, $0x1;
	s3 =	sadd.s32 s4, s19  }
0x9c: {  	s7 =	simm.s32 $0x0;
	s20 =	sshll.u32 s5, $0x1;
	s5 =	sadd.s32 s21, s3  }
0x9d: {  	[timem:s7], [sflag:s22] =	dma.local [hbm:s5], s20  }
0x9e: {  	_ =	swait.ge [sflag:s22], s20  }
0x9f: {  	s4 =	ssub.s32 $0x0, s20;
	[sflag:s22] =	ssyncset.done $0x0  }
0xa0: {  	[sflag:s22] =	ssyncadd.s32 s4;
	_ =	sdelay $0x1  }
0xa1: {  	s23 =	simm.s32 $0x1B8B  }
0xa2: {  	_ =	swait.ge [sflag:s23], $0x1  }
0xa3: {  	[sflag:s23] =	ssyncset.done $0x0  }
0xa4: {  	s25 =	simm.s32 $0x1B8E;
	s24 =	sld [smem:$0x3FFE];
	[sflag:s23] =	ssyncadd.s32 $0xFFFFFFFF  }
0xa5: {  	s26 =	simm.s32 $execute0_lowered;
	[smem:$0x3FD2] =	sst s25  }
0xa6: {  	s5 =	sshll.u32 s26, $0x1;
	_ =	strace $0x80000046;
	[dreg:$0x1] =	wrdreg $0xFFFFFFFF  }
0xa7: {  	s28 =	simm.s32 $_size_execute0_lowered;
	s3 =	sadd.s32 s3, s5;
	[dreg:$0x0] =	wrdreg $0x0  }
0xa8: {  	s5 =	sshll.u32 s28, $0x1;
	[dreg:$0x2] =	wrdreg s3  }
0xa9: {  	[dreg:$0x3] =	wrdreg s5  }
0xaa: {  	[dreg:$0x4] =	wrdreg $0xC0  }
0xab: {  	_ =	task [dreg:s7], $0x5FFFF  }
0xac: {  	[dreg:$0x1] =	wrdreg $0xFFFFFFFF  }
0xad: {  	[dreg:$0x0] =	wrdreg $0x60  }
0xae: {  	[dreg:$0x2] =	wrdreg s2  }
0xaf: {  	[dreg:$0x3] =	wrdreg s24  }
0xb0: {  	[dreg:$0x4] =	wrdreg $0x9  }
0xb1: {  	_ =	task.clear_ibuf [dreg:s7], $0x5FFFF;
	_ =	strace $0x90000046  }
0xb2: {  	s29 =	simm.s32 $0x9;
	_ =	strace $0x80000048  }
0xb3: {  	_ =	swait.ge [sflag:s29], $0x1  }
0xb4: {  	[sflag:s29] =	ssyncadd.s32 $0xFFFFFFFF  }
0xb5: {  	_ =	strace $0x90000048  }
0xb6: {  	_ =	sfence  }
0xb7: {  	s30 =	sld [smem:$0x0];
	_ =	sdelay $0x2  }
0xb8: {  	s31 =	sshll.u32 s1, $0xD;
	s1 =	sshrl.u32 s1, $0x2  }
0xb9: {  	s3 =	sand.u32 $0x4000, s31;
	s1 =	sadd.s32 s1, s30  }
0xba: {  	s0 =	sor.u32 s3, s0;
	s1 =	sshll.u32 s1, $0x11  }
0xbb: {  	s0 =	sor.u32 s1, s0  }
0xbc: {  	s0 =	sadd.s32 $0x8F2B, s0  }
0xbd: {  	[sflag:s0] =	ssyncadd.remote.s32 $0x1  }
0xbe: {  	_ =	sfence.sel $0xFFFF  }
0xbf: {  	[dreg:$0x0] =	wrdreg $0xFFFFFFFF;
	(pc) =	sbr.abs _section_cstart, $3  }
0xc0: {  	[dreg:$0x1] =	wrdreg $0xFFFFFFFF  }
0xc1: {  	_ =	task.clear_ibuf [dreg:s7], $0x2FFFF;
	_ =	strace $0x9FFFFFFF  }
0xc2: {  	(tm) =	ssettm $0x7FFFFFFF  }
0xc3: {  	_ =	shalt  }
tec
execute0_lowered:
.L_overlay_start_1:
0x0: {  	(tag) =	ssettag $0x1  }
0x1: {  	s3 =	rddreg [dreg:$0x0]  }
0x2: {  	s4 =	rddreg [dreg:$0x1]  }
0x3: {  	s0 =	rddreg [dreg:$0x2]  }
0x4: {  	s5 =	srdreg.scid;
	s1 =	stileid.u32  }
0x5: {  	s2 =	simm.s32 $0x0;
	s9 =	simm.s32 $0x100;
	s10 =	simm.s32 $0x400  }
0x6: {  	s11 =	simm.s32 $0x1;
	s12 =	simm.s32 $0x2000;
	s13 =	simm.s32 $0x2  }
0x7: {  	s14 =	simm.s32 $0x4000;
	s15 =	simm.s32 $0x3;
	s16 =	simm.s32 $0x0  }
0x8: {  	s5 =	sand.u32 $0x1, s5;
	s6 =	sshll.u32 s1, $0x9;
	s8 =	sshrl.u32 s1, $0x1  }
0x9: {  	[smem:$0x7FF] =	sst s2;
	s7 =	sshll.u32 s5, $0x8;
	s6 =	sand.u32 $0x200, s6  }
0xa: {  	s29 =	sshll.u32 s8, $0x11;
	_ =	strace $0x80000047;
	s6 =	sor.u32 s7, s6  }
0xb: {  	s8 =	sshll.u32 s8, $0xA;
	s5 =	ssub.s32 $0x2, s5;
	s7 =	sor.u32 s29, s6  }
0xc: {  	s30 =	sshrl.u32 s5, $0x1;
	s6 =	sor.u32 s8, s6;
	s7 =	sshrl.u32 s7, $0x3  }
0xd: {  	s8 =	ssub.s32 s5, s30;
	s6 =	sshrl.u32 s6, $0x3;
	s3 =	sadd.s32 s3, s7  }
0xe: {  	s8 =	smax.u32 s8, $0x1;
	s31 =	sadd.s32 s6, s4;
	s4 =	sadd.s32 $0x1000, s3  }
0xf: {  	s5 =	sadd.s32 $0x2000, s3;
	s6 =	sadd.s32 $0x3000, s3;
	s7 =	sadd.s32 $0x600, s31  }
.LBB2_1:
0x10: {  	[tilespmem:s2], [sflag:$0x1] =	stream.strided.gather [hbm4b:s3+s9], $0x2000, s10, s9, $0x38;
	[tilespmem:$0x4100] =	vst v63  }
0x11: {  	_ =	swait.ge [sflag:s11], $0x2000  }
0x12: {  	[sflag:s11] =	ssyncset.done $0x0  }
0x13: {  	s17 =	simm.s32 $0x0;
	[sflag:s11] =	ssyncadd.s32 $0xFFFFE000  }
0x14: {  	[tilespmem:s12], [sflag:$0x2] =	stream.strided.gather [hbm4b:s4+s9], $0x2000, s10, s9, $0x38;
	[tilespmem:$0x4100] =	vst v63  }
0x15: {  	v0 =	vld [tilespmem:s17+$0x60]  }
0x16: {  	v1 =	vld [tilespmem:s17+$0xE0]  }
0x17: {  	v4 =	vld [tilespmem:s17+$0x40]  }
0x18: {  	v2 =	vld [tilespmem:s17+$0xC0]  }
0x19: {  	v5 =	vld [tilespmem:s17+$0x20]  }
0x1a: {  	v6 =	vld [tilespmem:s17+$0xA0]  }
0x1b: {  	v12 =	vld [tilespmem:s17+$0x0]  }
0x1c: {  	v8 =	vimm.f32 $0.0e+00;
	v11 =	vld [tilespmem:s17+$0x80]  }
0x1d: {  	s18 =	simm.s32 $0x400;
	v9 =	vimm.f32 $0.0e+00;
	v7 =	vimm.f32 $0.0e+00;
	v3 =	vimm.f32 $0.0e+00;
	v10 =	vld [tilespmem:s17+$0x10]  }
.LBB2_2:
0x1e: {  	p0 =	sne.s32 s18, $0x7C00;
	v13 =	vld [tilespmem:s17+$0x90]  }
0x1f: {  	v14 =	vld [tilespmem:s17+$0x30]  }
0x20: {  	v16 =	vmax.f32 v4, $0.0e+00;
	v17 =	vmax.f32 v0, $0.0e+00;
	v18 =	vmax.f32 v1, $0.0e+00;
	v15 =	vld [tilespmem:s17+$0xB0]  }
0x21: {  	v1 =	vmax.f32 v5, $0.0e+00;
	v2 =	vmax.f32 v2, $0.0e+00;
	v4 =	vmax.f32 v6, $0.0e+00;
	v5 =	vld [tilespmem:s17+$0x50]  }
0x22: {  	v0 =	vmax.f32 v12, $0.0e+00;
	v6 =	vmax.f32 v11, $0.0e+00;
	v10 =	vmax.f32 v10, $0.0e+00;
	v11 =	vld [tilespmem:s17+$0xD0]  }
0x23: {  	v8 =	vadd.f32 v0, v8;
	v6 =	vadd.f32 v6, v9;
	v0 =	vmax.f32 v13, $0.0e+00;
	v9 =	vld [tilespmem:s17+$0x70]  }
0x24: {  	v7 =	vadd.f32 v10, v7;
	v3 =	vadd.f32 v0, v3;
	v10 =	vmax.f32 v14, $0.0e+00;
	v12 =	vld [tilespmem:s17+$0xF0];
	s17 =	sshra.s32 s18, $0x2  }
0x25: {  	v8 =	vadd.f32 v1, v8;
	v6 =	vadd.f32 v4, v6;
	v0 =	vld [tilespmem:s17+$0x60];
	v4 =	vmax.f32 v15, $0.0e+00  }
0x26: {  	v7 =	vadd.f32 v10, v7;
	v1 =	vld [tilespmem:s17+$0xE0];
	v3 =	vadd.f32 v4, v3;
	v5 =	vmax.f32 v5, $0.0e+00  }
0x27: {  	v8 =	vadd.f32 v16, v8;
	v6 =	vadd.f32 v2, v6;
	v4 =	vld [tilespmem:s17+$0x40];
	v10 =	vmax.f32 v11, $0.0e+00  }
0x28: {  	v7 =	vadd.f32 v5, v7;
	v2 =	vld [tilespmem:s17+$0xC0];
	v3 =	vadd.f32 v10, v3;
	v10 =	vmax.f32 v9, $0.0e+00  }
.Ltmp0:
0x29: {  	v8 =	vadd.f32 v17, v8;
	v9 =	vadd.f32 v18, v6;
	v5 =	vld [tilespmem:s17+$0x20];
	v11 =	vmax.f32 v12, $0.0e+00;
	(pc) =	sbr.rel @p0 .LBB2_2-.Ltmp0, $4  }
0x2a: {  	v7 =	vadd.f32 v10, v7;
	v6 =	vld [tilespmem:s17+$0xA0];
	v3 =	vadd.f32 v11, v3  }
0x2b: {  	v12 =	vld [tilespmem:s17+$0x0]  }
0x2c: {  	v11 =	vld [tilespmem:s17+$0x80]  }
0x2d: {  	s18 =	sadd.s32 $0x400, s18;
	v10 =	vld [tilespmem:s17+$0x10]  }
0x2e: {  	v13 =	vld [tilespmem:s17+$0x90]  }
0x2f: {  	v14 =	vld [tilespmem:s17+$0x30]  }
0x30: {  	v15 =	vld [tilespmem:s17+$0xB0]  }
0x31: {  	v16 =	vld [tilespmem:s17+$0x50]  }
0x32: {  	v17 =	vld [tilespmem:s17+$0xD0]  }
0x33: {  	v18 =	vld [tilespmem:s17+$0x70]  }
0x34: {  	v19 =	vld [tilespmem:s17+$0xF0];
	_ =	swait.ge [sflag:s13], $0x2000  }
0x35: {  	v5 =	vmax.f32 v5, $0.0e+00;
	[sflag:s13] =	ssyncset.done $0x0  }
0x36: {  	s31 =	simm.s32 $0x0;
	s17 =	simm.s32 $0x0;
	v6 =	vmax.f32 v6, $0.0e+00;
	v12 =	vmax.f32 v12, $0.0e+00;
	[sflag:s13] =	ssyncadd.s32 $0xFFFFE000;
	v11 =	vmax.f32 v11, $0.0e+00  }
0x37: {  	v8 =	vadd.f32 v12, v8;
	[tilespmem:s31], [sflag:$0x1] =	stream.strided.gather [hbm4b:s5+s9], $0x2000, s10, s9, $0x38;
	v12 =	vmax.f32 v0, $0.0e+00;
	v9 =	vadd.f32 v11, v9;
	[tilespmem:$0x4100] =	vst v63  }
0x38: {  	v11 =	vmax.f32 v4, $0.0e+00;
	v4 =	vmax.f32 v10, $0.0e+00;
	v0 =	vld [tilespmem:s17+$0x2060];
	v10 =	vmax.f32 v13, $0.0e+00  }
0x39: {  	v4 =	vadd.f32 v4, v7;
	v7 =	vmax.f32 v1, $0.0e+00;
	v1 =	vld [tilespmem:s17+$0x20E0];
	v13 =	vmax.f32 v2, $0.0e+00  }
0x3a: {  	v5 =	vadd.f32 v5, v8;
	v8 =	vmax.f32 v14, $0.0e+00;
	v2 =	vld [tilespmem:s17+$0x20C0];
	v10 =	vadd.f32 v10, v3  }
0x3b: {  	v3 =	vld [tilespmem:s17+$0x2040];
	v6 =	vadd.f32 v6, v9;
	v9 =	vmax.f32 v15, $0.0e+00;
	v8 =	vadd.f32 v8, v4  }
0x3c: {  	v4 =	vld [tilespmem:s17+$0x2020];
	v5 =	vadd.f32 v11, v5;
	v9 =	vadd.f32 v9, v10  }
0x3d: {  	v10 =	vmax.f32 v16, $0.0e+00;
	v11 =	vadd.f32 v13, v6;
	v13 =	vmax.f32 v17, $0.0e+00;
	v6 =	vld [tilespmem:s17+$0x20A0]  }
0x3e: {  	v15 =	vmax.f32 v18, $0.0e+00;
	v14 =	vadd.f32 v10, v8;
	v10 =	vld [tilespmem:s17+$0x2000];
	v13 =	vadd.f32 v13, v9  }
0x3f: {  	v9 =	vadd.f32 v12, v5;
	v8 =	vadd.f32 v7, v11;
	v5 =	vmax.f32 v19, $0.0e+00;
	v11 =	vld [tilespmem:s17+$0x2080]  }
0x40: {  	s18 =	simm.s32 $0x400;
	v12 =	vld [tilespmem:s17+$0x2010];
	v7 =	vadd.f32 v15, v14;
	v5 =	vadd.f32 v5, v13  }
.LBB2_4:
0x41: {  	p0 =	sne.s32 s18, $0x7C00;
	v13 =	vld [tilespmem:s17+$0x2090]  }
0x42: {  	v14 =	vld [tilespmem:s17+$0x2030]  }
0x43: {  	v16 =	vmax.f32 v3, $0.0e+00;
	v17 =	vmax.f32 v0, $0.0e+00;
	v18 =	vmax.f32 v1, $0.0e+00;
	v15 =	vld [tilespmem:s17+$0x20B0]  }
0x44: {  	v1 =	vmax.f32 v4, $0.0e+00;
	v2 =	vmax.f32 v2, $0.0e+00;
	v3 =	vmax.f32 v6, $0.0e+00;
	v4 =	vld [tilespmem:s17+$0x2050]  }
0x45: {  	v0 =	vmax.f32 v10, $0.0e+00;
	v6 =	vmax.f32 v11, $0.0e+00;
	v10 =	vmax.f32 v12, $0.0e+00;
	v11 =	vld [tilespmem:s17+$0x20D0]  }
0x46: {  	v9 =	vadd.f32 v0, v9;
	v6 =	vadd.f32 v6, v8;
	v0 =	vmax.f32 v13, $0.0e+00;
	v8 =	vld [tilespmem:s17+$0x2070]  }
0x47: {  	v7 =	vadd.f32 v10, v7;
	v5 =	vadd.f32 v0, v5;
	v10 =	vmax.f32 v14, $0.0e+00;
	v12 =	vld [tilespmem:s17+$0x20F0];
	s17 =	sshra.s32 s18, $0x2  }
0x48: {  	v9 =	vadd.f32 v1, v9;
	v6 =	vadd.f32 v3, v6;
	v0 =	vld [tilespmem:s17+$0x2060];
	v3 =	vmax.f32 v15, $0.0e+00  }
0x49: {  	v7 =	vadd.f32 v10, v7;
	v1 =	vld [tilespmem:s17+$0x20E0];
	v5 =	vadd.f32 v3, v5;
	v4 =	vmax.f32 v4, $0.0e+00  }
0x4a: {  	v9 =	vadd.f32 v16, v9;
	v6 =	vadd.f32 v2, v6;
	v3 =	vld [tilespmem:s17+$0x2040];
	v10 =	vmax.f32 v11, $0.0e+00  }
0x4b: {  	v7 =	vadd.f32 v4, v7;
	v2 =	vld [tilespmem:s17+$0x20C0];
	v5 =	vadd.f32 v10, v5;
	v10 =	vmax.f32 v8, $0.0e+00  }
.Ltmp1:
0x4c: {  	v9 =	vadd.f32 v17, v9;
	v8 =	vadd.f32 v18, v6;
	v4 =	vld [tilespmem:s17+$0x2020];
	v11 =	vmax.f32 v12, $0.0e+00;
	(pc) =	sbr.rel @p0 .LBB2_4-.Ltmp1, $4  }
0x4d: {  	v7 =	vadd.f32 v10, v7;
	v6 =	vld [tilespmem:s17+$0x20A0];
	v5 =	vadd.f32 v11, v5  }
0x4e: {  	v10 =	vld [tilespmem:s17+$0x2000]  }
0x4f: {  	v11 =	vld [tilespmem:s17+$0x2080]  }
0x50: {  	s18 =	sadd.s32 $0x400, s18;
	v12 =	vld [tilespmem:s17+$0x2010]  }
0x51: {  	v13 =	vld [tilespmem:s17+$0x2090]  }
0x52: {  	v14 =	vld [tilespmem:s17+$0x2030]  }
0x53: {  	v15 =	vld [tilespmem:s17+$0x20B0]  }
0x54: {  	v16 =	vld [tilespmem:s17+$0x2050]  }
0x55: {  	v17 =	vld [tilespmem:s17+$0x20D0]  }
0x56: {  	v18 =	vld [tilespmem:s17+$0x2070]  }
0x57: {  	v19 =	vld [tilespmem:s17+$0x20F0];
	_ =	swait.ge [sflag:s11], $0x2000  }
0x58: {  	[sflag:s11] =	ssyncset.done $0x0;
	v10 =	vmax.f32 v10, $0.0e+00  }
0x59: {  	s17 =	simm.s32 $0x0;
	[sflag:s11] =	ssyncadd.s32 $0xFFFFE000;
	v9 =	vadd.f32 v10, v9;
	v10 =	vmax.f32 v11, $0.0e+00  }
0x5a: {  	[tilespmem:s12], [sflag:$0x2] =	stream.strided.gather [hbm4b:s6+s9], $0x2000, s10, s9, $0x38;
	v8 =	vadd.f32 v10, v8;
	v10 =	vmax.f32 v3, $0.0e+00;
	v3 =	vmax.f32 v12, $0.0e+00;
	[tilespmem:$0x4100] =	vst v63  }
0x5b: {  	v11 =	vmax.f32 v0, $0.0e+00;
	v0 =	vld [tilespmem:s17+$0x60];
	v12 =	vmax.f32 v13, $0.0e+00;
	v7 =	vadd.f32 v3, v7  }
0x5c: {  	v13 =	vmax.f32 v1, $0.0e+00;
	v3 =	vmax.f32 v4, $0.0e+00;
	v1 =	vld [tilespmem:s17+$0xE0];
	v4 =	vadd.f32 v12, v5  }
0x5d: {  	v5 =	vmax.f32 v6, $0.0e+00;
	v6 =	vmax.f32 v2, $0.0e+00;
	v9 =	vadd.f32 v3, v9;
	v3 =	vld [tilespmem:s17+$0x40]  }
0x5e: {  	v12 =	vmax.f32 v14, $0.0e+00;
	v2 =	vld [tilespmem:s17+$0xC0];
	v5 =	vadd.f32 v5, v8;
	v8 =	vmax.f32 v15, $0.0e+00  }
0x5f: {  	v7 =	vadd.f32 v12, v7;
	v12 =	vmax.f32 v16, $0.0e+00;
	v8 =	vadd.f32 v8, v4;
	v4 =	vld [tilespmem:s17+$0x20]  }
0x60: {  	v9 =	vadd.f32 v10, v9;
	v10 =	vmax.f32 v17, $0.0e+00;
	v5 =	vadd.f32 v6, v5;
	v6 =	vld [tilespmem:s17+$0xA0]  }
0x61: {  	v14 =	vmax.f32 v18, $0.0e+00;
	v7 =	vadd.f32 v12, v7;
	v12 =	vadd.f32 v10, v8;
	v10 =	vld [tilespmem:s17+$0x0]  }
0x62: {  	v9 =	vadd.f32 v11, v9;
	v11 =	vld [tilespmem:s17+$0x80];
	v8 =	vadd.f32 v13, v5;
	v5 =	vmax.f32 v19, $0.0e+00  }
0x63: {  	s18 =	simm.s32 $0x400;
	v7 =	vadd.f32 v14, v7;
	v5 =	vadd.f32 v5, v12;
	v12 =	vld [tilespmem:s17+$0x10]  }
.LBB2_6:
0x64: {  	p0 =	sne.s32 s18, $0x7C00;
	v13 =	vld [tilespmem:s17+$0x90]  }
0x65: {  	v14 =	vld [tilespmem:s17+$0x30]  }
0x66: {  	v16 =	vmax.f32 v3, $0.0e+00;
	v17 =	vmax.f32 v0, $0.0e+00;
	v18 =	vmax.f32 v1, $0.0e+00;
	v15 =	vld [tilespmem:s17+$0xB0]  }
0x67: {  	v1 =	vmax.f32 v4, $0.0e+00;
	v2 =	vmax.f32 v2, $0.0e+00;
	v3 =	vmax.f32 v6, $0.0e+00;
	v4 =	vld [tilespmem:s17+$0x50]  }
0x68: {  	v0 =	vmax.f32 v10, $0.0e+00;
	v6 =	vmax.f32 v11, $0.0e+00;
	v10 =	vmax.f32 v12, $0.0e+00;
	v11 =	vld [tilespmem:s17+$0xD0]  }
0x69: {  	v9 =	vadd.f32 v0, v9;
	v6 =	vadd.f32 v6, v8;
	v0 =	vmax.f32 v13, $0.0e+00;
	v8 =	vld [tilespmem:s17+$0x70]  }
0x6a: {  	v7 =	vadd.f32 v10, v7;
	v5 =	vadd.f32 v0, v5;
	v10 =	vmax.f32 v14, $0.0e+00;
	v12 =	vld [tilespmem:s17+$0xF0];
	s17 =	sshra.s32 s18, $0x2  }
0x6b: {  	v9 =	vadd.f32 v1, v9;
	v6 =	vadd.f32 v3, v6;
	v0 =	vld [tilespmem:s17+$0x60];
	v3 =	vmax.f32 v15, $0.0e+00  }
0x6c: {  	v7 =	vadd.f32 v10, v7;
	v1 =	vld [tilespmem:s17+$0xE0];
	v5 =	vadd.f32 v3, v5;
	v4 =	vmax.f32 v4, $0.0e+00  }
0x6d: {  	v9 =	vadd.f32 v16, v9;
	v6 =	vadd.f32 v2, v6;
	v3 =	vld [tilespmem:s17+$0x40];
	v10 =	vmax.f32 v11, $0.0e+00  }
0x6e: {  	v7 =	vadd.f32 v4, v7;
	v2 =	vld [tilespmem:s17+$0xC0];
	v5 =	vadd.f32 v10, v5;
	v10 =	vmax.f32 v8, $0.0e+00  }
.Ltmp2:
0x6f: {  	v9 =	vadd.f32 v17, v9;
	v8 =	vadd.f32 v18, v6;
	v4 =	vld [tilespmem:s17+$0x20];
	v11 =	vmax.f32 v12, $0.0e+00;
	(pc) =	sbr.rel @p0 .LBB2_6-.Ltmp2, $4  }
0x70: {  	v7 =	vadd.f32 v10, v7;
	v6 =	vld [tilespmem:s17+$0xA0];
	v5 =	vadd.f32 v11, v5  }
0x71: {  	v10 =	vld [tilespmem:s17+$0x0]  }
0x72: {  	v11 =	vld [tilespmem:s17+$0x80]  }
0x73: {  	s18 =	sadd.s32 $0x400, s18;
	v12 =	vld [tilespmem:s17+$0x10]  }
0x74: {  	v13 =	vld [tilespmem:s17+$0x90]  }
0x75: {  	v14 =	vld [tilespmem:s17+$0x30]  }
0x76: {  	v15 =	vld [tilespmem:s17+$0xB0]  }
0x77: {  	v16 =	vld [tilespmem:s17+$0x50]  }
0x78: {  	v17 =	vld [tilespmem:s17+$0xD0]  }
0x79: {  	v18 =	vld [tilespmem:s17+$0x70]  }
0x7a: {  	v19 =	vld [tilespmem:s17+$0xF0];
	_ =	swait.ge [sflag:s13], $0x2000;
	v10 =	vmax.f32 v10, $0.0e+00  }
0x7b: {  	[sflag:s13] =	ssyncset.done $0x0;
	v9 =	vadd.f32 v10, v9;
	v10 =	vmax.f32 v11, $0.0e+00  }
0x7c: {  	s17 =	simm.s32 $0x0;
	[sflag:s13] =	ssyncadd.s32 $0xFFFFE000;
	v8 =	vadd.f32 v10, v8;
	v10 =	vmax.f32 v3, $0.0e+00;
	v3 =	vmax.f32 v12, $0.0e+00  }
0x7d: {  	v11 =	vmax.f32 v0, $0.0e+00;
	v0 =	vld [tilespmem:s17+$0x2060];
	v12 =	vmax.f32 v13, $0.0e+00;
	v7 =	vadd.f32 v3, v7  }
0x7e: {  	v13 =	vmax.f32 v1, $0.0e+00;
	v3 =	vmax.f32 v4, $0.0e+00;
	v1 =	vld [tilespmem:s17+$0x20E0];
	v4 =	vadd.f32 v12, v5  }
0x7f: {  	v5 =	vmax.f32 v6, $0.0e+00;
	v6 =	vmax.f32 v2, $0.0e+00;
	v9 =	vadd.f32 v3, v9;
	v3 =	vld [tilespmem:s17+$0x2040]  }
0x80: {  	v12 =	vmax.f32 v14, $0.0e+00;
	v2 =	vld [tilespmem:s17+$0x20C0];
	v5 =	vadd.f32 v5, v8;
	v8 =	vmax.f32 v15, $0.0e+00  }
0x81: {  	v7 =	vadd.f32 v12, v7;
	v12 =	vmax.f32 v16, $0.0e+00;
	v4 =	vadd.f32 v8, v4;
	v8 =	vld [tilespmem:s17+$0x2020]  }
0x82: {  	v14 =	vadd.f32 v10, v9;
	v9 =	vld [tilespmem:s17+$0x20A0];
	v6 =	vadd.f32 v6, v5;
	v5 =	vmax.f32 v17, $0.0e+00  }
0x83: {  	v15 =	vmax.f32 v18, $0.0e+00;
	v10 =	vld [tilespmem:s17+$0x2000];
	v7 =	vadd.f32 v12, v7;
	v12 =	vadd.f32 v5, v4  }
0x84: {  	v5 =	vadd.f32 v11, v14;
	v11 =	vld [tilespmem:s17+$0x2080];
	v4 =	vadd.f32 v13, v6;
	v6 =	vmax.f32 v19, $0.0e+00  }
0x85: {  	s18 =	simm.s32 $0x400;
	v7 =	vadd.f32 v15, v7;
	v6 =	vadd.f32 v6, v12;
	v12 =	vld [tilespmem:s17+$0x2010]  }
.LBB2_8:
0x86: {  	p0 =	sne.s32 s18, $0x7C00;
	v13 =	vld [tilespmem:s17+$0x2090]  }
0x87: {  	v14 =	vld [tilespmem:s17+$0x2030]  }
0x88: {  	v16 =	vmax.f32 v3, $0.0e+00;
	v17 =	vmax.f32 v0, $0.0e+00;
	v18 =	vmax.f32 v1, $0.0e+00;
	v15 =	vld [tilespmem:s17+$0x20B0]  }
0x89: {  	v1 =	vmax.f32 v8, $0.0e+00;
	v2 =	vmax.f32 v2, $0.0e+00;
	v3 =	vmax.f32 v9, $0.0e+00;
	v8 =	vld [tilespmem:s17+$0x2050]  }
0x8a: {  	v0 =	vmax.f32 v10, $0.0e+00;
	v9 =	vmax.f32 v11, $0.0e+00;
	v10 =	vmax.f32 v12, $0.0e+00;
	v11 =	vld [tilespmem:s17+$0x20D0]  }
0x8b: {  	v5 =	vadd.f32 v0, v5;
	v4 =	vadd.f32 v9, v4;
	v0 =	vmax.f32 v13, $0.0e+00;
	v9 =	vld [tilespmem:s17+$0x2070]  }
0x8c: {  	v7 =	vadd.f32 v10, v7;
	v6 =	vadd.f32 v0, v6;
	v10 =	vmax.f32 v14, $0.0e+00;
	v12 =	vld [tilespmem:s17+$0x20F0];
	s17 =	sshra.s32 s18, $0x2  }
0x8d: {  	v5 =	vadd.f32 v1, v5;
	v4 =	vadd.f32 v3, v4;
	v0 =	vld [tilespmem:s17+$0x2060];
	v3 =	vmax.f32 v15, $0.0e+00  }
0x8e: {  	v7 =	vadd.f32 v10, v7;
	v1 =	vld [tilespmem:s17+$0x20E0];
	v6 =	vadd.f32 v3, v6;
	v8 =	vmax.f32 v8, $0.0e+00  }
0x8f: {  	v5 =	vadd.f32 v16, v5;
	v4 =	vadd.f32 v2, v4;
	v3 =	vld [tilespmem:s17+$0x2040];
	v10 =	vmax.f32 v11, $0.0e+00  }
0x90: {  	v7 =	vadd.f32 v8, v7;
	v2 =	vld [tilespmem:s17+$0x20C0];
	v6 =	vadd.f32 v10, v6;
	v10 =	vmax.f32 v9, $0.0e+00  }
.Ltmp3:
0x91: {  	v5 =	vadd.f32 v17, v5;
	v4 =	vadd.f32 v18, v4;
	v8 =	vld [tilespmem:s17+$0x2020];
	v11 =	vmax.f32 v12, $0.0e+00;
	(pc) =	sbr.rel @p0 .LBB2_8-.Ltmp3, $4  }
0x92: {  	v7 =	vadd.f32 v10, v7;
	v9 =	vld [tilespmem:s17+$0x20A0];
	v6 =	vadd.f32 v11, v6  }
0x93: {  	v10 =	vld [tilespmem:s17+$0x2000]  }
0x94: {  	v11 =	vld [tilespmem:s17+$0x2080]  }
0x95: {  	s18 =	sadd.s32 $0x400, s18;
	v12 =	vld [tilespmem:s17+$0x2010]  }
0x96: {  	v13 =	vld [tilespmem:s17+$0x2090]  }
0x97: {  	v14 =	vld [tilespmem:s17+$0x2030]  }
0x98: {  	v15 =	vld [tilespmem:s17+$0x20B0];
	v3 =	vmax.f32 v3, $0.0e+00;
	v0 =	vmax.f32 v0, $0.0e+00;
	v1 =	vmax.f32 v1, $0.0e+00  }
0x99: {  	v8 =	vmax.f32 v8, $0.0e+00;
	v2 =	vmax.f32 v2, $0.0e+00;
	v16 =	vld [tilespmem:s17+$0x2050];
	v9 =	vmax.f32 v9, $0.0e+00  }
0x9a: {  	v17 =	vld [tilespmem:s17+$0x20D0];
	v10 =	vmax.f32 v10, $0.0e+00;
	v11 =	vmax.f32 v11, $0.0e+00;
	v12 =	vmax.f32 v12, $0.0e+00  }
0x9b: {  	v54 =	vld [tilespmem:s17+$0x2070];
	v5 =	vadd.f32 v10, v5;
	v53 =	vmax.f32 v13, $0.0e+00;
	v7 =	vadd.f32 v12, v7  }
0x9c: {  	v56 =	vld [tilespmem:s17+$0x20F0];
	v4 =	vadd.f32 v11, v4;
	v55 =	vmax.f32 v14, $0.0e+00;
	v6 =	vadd.f32 v53, v6  }
0x9d: {  	v5 =	vadd.f32 v8, v5;
	v57 =	vmax.f32 v15, $0.0e+00;
	v7 =	vadd.f32 v55, v7  }
0x9e: {  	v58 =	vmax.f32 v16, $0.0e+00;
	v4 =	vadd.f32 v9, v4;
	v6 =	vadd.f32 v57, v6  }
0x9f: {  	v59 =	vmax.f32 v17, $0.0e+00;
	v3 =	vadd.f32 v3, v5;
	v7 =	vadd.f32 v58, v7  }
0xa0: {  	v61 =	vmax.f32 v54, $0.0e+00;
	v2 =	vadd.f32 v2, v4;
	v60 =	vadd.f32 v59, v6  }
0xa1: {  	v62 =	vmax.f32 v56, $0.0e+00;
	v0 =	vadd.f32 v0, v3;
	v5 =	vadd.f32 v61, v7  }
0xa2: {  	v1 =	vadd.f32 v1, v2;
	v63 =	vadd.f32 v62, v60  }
0xa3: {  	v0 =	vadd.f32 v5, v0  }
0xa4: {  	s16 =	sadd.s32 $0x1, s16;
	v1 =	vadd.f32 v63, v1  }
0xa5: {  	p0 =	sne.s32 s16, s8;
	[tilespmem:$0x4000] =	vst v0  }
.Ltmp4:
0xa6: {  	[tilespmem:$0x4080] =	vst v1;
	(pc) =	sbr.rel @p0 .LBB2_1-.Ltmp4, $4  }
0xa7: {  	[hbm4b:s7+s2] =	stream.linear.scatter [tilespmem:s14], [sflag:$0x3], $0x100, $0x38;
	[tilespmem:$0x4100] =	vst v63  }
0xa8: {  	_ =	swait.ge [sflag:s15], $0x100  }
0xa9: {  	[sflag:s15] =	ssyncset.done $0x0  }
0xaa: {  	[sflag:s15] =	ssyncadd.s32 $0xFFFFFF00  }
0xab: {  	_ =	sfence.sel $0x180000  }
0xac: {  	[bflag:$0x0] =	sbarrier.arrive $0xFFFF  }
0xad: {  	p0 =	sne.s32 s1, $0x0;
	_ =	strace $0x90000047  }
0xae: {  	s0 =	sadd.s32 @!p0 $0x100000, s0;
	[bflag:$0x2] =	sbarrier.arrive $0xFFFF  }
0xaf: {  	[sflag:s0] =	ssyncadd.tile.s32 @!p0 $0x1;
	_ =	shalt  }
.Lfunc_end2:
_tile_overlayer_lowered:
.L_overlay_start_2:
0xb0: {  	(tag) =	ssettag $0x2  }
0xb1: {  	s0 =	rddreg [dreg:$0x0];
	s2 =	stileid.u32  }
0xb2: {  	s1 =	rddreg [dreg:$0x1];
	p0 =	sne.s32 s2, $0x0  }
0xb3: {  	s3 =	rddreg [dreg:$0x2];
	[bflag:$0x3] =	sbarrier.arrive $0xFFFF;
	s2 =	simm.s32 @!p0 $0x1C03  }
0xb4: {  	[timem:s3], [sflag:s2] =	dma.local @!p0 [hbm:s0], s1  }
0xb5: {  	s0 =	simm.s32 @!p0 $0x3  }
0xb6: {  	_ =	swait.ge @!p0 [sflag:s0], s1  }
0xb7: {  	s1 =	ssub.s32 @!p0 $0x0, s1;
	[sflag:s0] =	ssyncset.done @!p0 $0x0  }
0xb8: {  	[sflag:s0] =	ssyncadd.s32 @!p0 s1  }
0xb9: {  	[bflag:$0x3] =	sbarrier.arrive $0xFFFF  }
0xba: {  	_ =	shalt  }

</sc_bundles>
